<compile_context>
chip_gen: v7x
topology: tpu7x:2x2x1
jax: 0.10.2.dev20260603
libtpu: 0.0.44.dev20260713+nightly
codegen_flags: <defaults>
</compile_context>

<pallas_src>
import jax
import jax.numpy as jnp
from jax import lax
from jax.experimental import pallas as pl
from jax.experimental.pallas import tpu as pltpu
from jax.experimental.pallas import tpu_sc as plsc

D = 64
L = 16
SCALE = 8.0
NC, NS = 2, 16
NW = NC * NS
C = 128
NBUF = 4


def _body(x_hbm, table_hbm, out_hbm, idx_all,
          gb0, gb1, gb2, gb3, ob0, ob1, ob2, ob3,
          gs0, gs1, gs2, gs3, os0, os1, os2, os3):
    gbuf = [gb0, gb1, gb2, gb3]
    obuf = [ob0, ob1, ob2, ob3]
    gsem = [gs0, gs1, gs2, gs3]
    osem = [os0, os1, os2, os3]

    wid = lax.axis_index("s") * NC + lax.axis_index("c")
    nchunks = out_hbm.shape[0] // NW
    nblocks = nchunks // NBUF
    cbase = wid * nchunks

    pltpu.sync_copy(x_hbm.at[pl.ds(cbase, nchunks)], idx_all)

    def gather_start(g, b):
        pltpu.async_copy(table_hbm.at[idx_all.at[g]], gbuf[b], gsem[b])

    def gather_wait(g, b):
        pltpu.make_async_copy(table_hbm.at[idx_all.at[g]], gbuf[b],
                              gsem[b]).wait()

    def out_start(g, b):
        pltpu.async_copy(obuf[b], out_hbm.at[pl.ds(cbase + g, 1)], osem[b])

    def out_wait(g, b):
        pltpu.make_async_copy(obuf[b], out_hbm.at[pl.ds(cbase + g, 1)],
                              osem[b]).wait()

    def scale(b):
        gbr, obr = gbuf[b], obuf[b]

        @plsc.parallel_loop(0, C, unroll=8)
        def _(i):
            for j in range(D // L):
                s = pl.ds(j * L, L)
                obr[0, i, s] = gbr[i, s] * SCALE

    for b in range(NBUF):
        gather_start(b, b)

    @pl.loop(0, nblocks)
    def _(blk):
        for b in range(NBUF):
            g = blk * NBUF + b
            gather_wait(g, b)

            @pl.when(blk > 0)
            def _():
                out_wait(g - NBUF, b)

            scale(b)
            out_start(g, b)

            @pl.when(blk < nblocks - 1)
            def _():
                gather_start(g + NBUF, b)

    for b in range(NBUF):
        out_wait((nblocks - 1) * NBUF + b, b)


def _impl(x, table):
    Bx, Sx = x.shape
    B = Bx * Sx
    x2d = x.reshape(B // C, C)
    mesh = plsc.VectorSubcoreMesh(
        core_axis_name="c", subcore_axis_name="s",
        num_cores=NC, num_subcores=NS,
    )
    run = pl.kernel(
        _body,
        out_type=jax.ShapeDtypeStruct((B // C, C, D), jnp.float32),
        mesh=mesh,
        scratch_types=(
            [pltpu.VMEM((B // (NW * C), C), jnp.int32)]
            + [pltpu.VMEM((C, D), jnp.float32) for _ in range(NBUF)]
            + [pltpu.VMEM((1, C, D), jnp.float32) for _ in range(NBUF)]
            + [pltpu.SemaphoreType.DMA for _ in range(2 * NBUF)]
        ),
        compiler_params=pltpu.CompilerParams(use_tc_tiling_on_sc=False),
    )
    out = run(x2d, table)
    return out.reshape(Bx, Sx, D)


def kernel(x, table):
    return _impl(x, table)

# --- scband reference (transcript-rebuilt; emitter-appended) ---
"""Pipeline reference for scband-embeddings-35218731827976 (READ-ONLY COPY).

The authoritative reference and input builder live on the scoring server;
editing this copy changes nothing except your own understanding.
"""

import jax, jax.numpy as jnp
import numpy as np
import math

LEN_VOCAB = 1000000
EMBED_DIM = 64
PADDING_IDX = 0

def setup_inputs(seed: int = 0) -> dict:
    key = jax.random.key(seed)
    k1, k2 = jax.random.split(key)
    x = jax.random.randint(k1, (4096, 200), 0, LEN_VOCAB, dtype=jnp.int64 if jax.config.jax_enable_x64 else jnp.int32).astype(jnp.int32)
    table = jax.random.normal(k2, (LEN_VOCAB, EMBED_DIM), dtype=jnp.float32)
    # emulate nn.Embedding padding_idx: row at padding_idx is zeros
    table = table.at[PADDING_IDX].set(0.0)
    return {"x": x, "table": table}

def reference(x, table):
    # nn.Embedding lookup with padding_idx row forced to zero
    table_eff = table.at[PADDING_IDX].set(0.0)
    eb = jnp.take(table_eff, x, axis=0)
    eb = eb * math.sqrt(EMBED_DIM)
    return eb

if __name__ == "__main__":
    import jax
    _d = setup_inputs()
    print(jax.jit(kernel)(*tuple(_d.values())))

</pallas_src>

<mosaic_0001>
#map = affine_map<(d0, d1) -> (0, 0)>
#map1 = affine_map<(d0, d1) -> (0, 0, 0)>
module attributes {stable_mosaic.version = 14 : i64} {
  func.func @_body(%arg0: i32, %arg1: i32, %arg2: memref<6400x128xi32, #tpu.memory_space<hbm>>, %arg3: memref<1000000x64xf32, #tpu.memory_space<hbm>>, %arg4: memref<6400x128x64xf32, #tpu.memory_space<hbm>>, %arg5: memref<200x128xi32, #tpu.memory_space<vmem>>, %arg6: memref<128x64xf32, #tpu.memory_space<vmem>>, %arg7: memref<128x64xf32, #tpu.memory_space<vmem>>, %arg8: memref<128x64xf32, #tpu.memory_space<vmem>>, %arg9: memref<128x64xf32, #tpu.memory_space<vmem>>, %arg10: memref<1x128x64xf32, #tpu.memory_space<vmem>>, %arg11: memref<1x128x64xf32, #tpu.memory_space<vmem>>, %arg12: memref<1x128x64xf32, #tpu.memory_space<vmem>>, %arg13: memref<1x128x64xf32, #tpu.memory_space<vmem>>, %arg14: memref<!tpu.dma_semaphore, #tpu.memory_space<semaphore_mem>>, %arg15: memref<!tpu.dma_semaphore, #tpu.memory_space<semaphore_mem>>, %arg16: memref<!tpu.dma_semaphore, #tpu.memory_space<semaphore_mem>>, %arg17: memref<!tpu.dma_semaphore, #tpu.memory_space<semaphore_mem>>, %arg18: memref<!tpu.dma_semaphore, #tpu.memory_space<semaphore_mem>>, %arg19: memref<!tpu.dma_semaphore, #tpu.memory_space<semaphore_mem>>, %arg20: memref<!tpu.dma_semaphore, #tpu.memory_space<semaphore_mem>>, %arg21: memref<!tpu.dma_semaphore, #tpu.memory_space<semaphore_mem>>) attributes {dimension_semantics = [#tpu.dimension_semantics<core_parallel>, #tpu.dimension_semantics<subcore_parallel>], iteration_bounds = array<i64: 2, 16>, scalar_prefetch = 0 : i64, scratch_operands = 17 : i64, tpu.core_type = #tpu.core_type<sc_vector_subcore>, window_params = [{transform_indices = #map}, {transform_indices = #map}, {transform_indices = #map1}]} {
    %mul3A = arith.constant 2 : i32
    %mul3A_0 = arith.muli %arg1, %mul3A : i32
    %add3A = arith.addi %mul3A_0, %arg0 : i32
    %mul3A_1 = arith.constant 200 : i32
    %mul3A_2 = arith.muli %add3A, %mul3A_1 : i32
    "tpu.region"() ({
      %run_scoped3A = tpu.sem_alloc : memref<!tpu.dma_semaphore, #tpu.memory_space<semaphore_mem>>
      %dma_start3A_65 = arith.constant 0 : i32
      %dma_start3A_66 = tpu.memref_slice %arg2[%mul3A_2, %dma_start3A_65] : memref<6400x128xi32, #tpu.memory_space<hbm>> -> memref<200x128xi32, #tpu.memory_space<hbm>>
      %dma_start3A_67 = arith.constant 0 : i32
      %dma_start3A_68 = tpu.memref_slice %arg2[%mul3A_2, %dma_start3A_67] : memref<6400x128xi32, #tpu.memory_space<hbm>> -> memref<200x128xi32, #tpu.memory_space<hbm>>
      tpu.enqueue_dma source(%dma_start3A_68 : memref<200x128xi32, #tpu.memory_space<hbm>>) target(%arg5 : memref<200x128xi32, #tpu.memory_space<vmem>>) target_semaphore(%run_scoped3A : memref<!tpu.dma_semaphore, #tpu.memory_space<semaphore_mem>>)
      %dma_wait3A_69 = arith.constant 0 : i32
      %dma_wait3A_70 = tpu.memref_slice %arg2[%mul3A_2, %dma_wait3A_69] : memref<6400x128xi32, #tpu.memory_space<hbm>> -> memref<200x128xi32, #tpu.memory_space<hbm>>
      %dma_wait3A_71 = arith.constant 0 : i32
      %dma_wait3A_72 = tpu.memref_slice %arg2[%mul3A_2, %dma_wait3A_71] : memref<6400x128xi32, #tpu.memory_space<hbm>> -> memref<200x128xi32, #tpu.memory_space<hbm>>
      tpu.wait_dma2 semaphore(%run_scoped3A : memref<!tpu.dma_semaphore, #tpu.memory_space<semaphore_mem>>) src(%dma_wait3A_72 : memref<200x128xi32, #tpu.memory_space<hbm>>) dst(%arg5 : memref<200x128xi32, #tpu.memory_space<vmem>>)
      tpu.yield
    }) : () -> ()
    %dma_start3A = arith.constant 0 : i32
    %dma_start3A_3 = arith.constant 0 : i32
    %dma_start3A_4 = tpu.memref_slice %arg5[%dma_start3A, %dma_start3A_3] : memref<200x128xi32, #tpu.memory_space<vmem>> -> memref<1x128xi32, #tpu.memory_space<vmem>>
    %dma_start3A_5 = tpu.memref_squeeze %dma_start3A_4 : memref<1x128xi32, #tpu.memory_space<vmem>> -> memref<128xi32, #tpu.memory_space<vmem>>
    %dma_start3A_6 = arith.constant 0 : i32
    %dma_start3A_7 = arith.constant 0 : i32
    %dma_start3A_8 = tpu.memref_slice %arg3[%dma_start3A_6, %dma_start3A_7] : memref<1000000x64xf32, #tpu.memory_space<hbm>> -> memref<1000000x64xf32, #tpu.memory_space<hbm>>
    tpu.enqueue_indirect_dma source(%dma_start3A_8 : memref<1000000x64xf32, #tpu.memory_space<hbm>>) target(%arg6 : memref<128x64xf32, #tpu.memory_space<vmem>>) offsets(%dma_start3A_5 : memref<128xi32, #tpu.memory_space<vmem>>) semaphore(%arg14 : memref<!tpu.dma_semaphore, #tpu.memory_space<semaphore_mem>>)
    %dma_start3A_9 = arith.constant 1 : i32
    %dma_start3A_10 = arith.constant 0 : i32
    %dma_start3A_11 = tpu.memref_slice %arg5[%dma_start3A_9, %dma_start3A_10] : memref<200x128xi32, #tpu.memory_space<vmem>> -> memref<1x128xi32, #tpu.memory_space<vmem>>
    %dma_start3A_12 = tpu.memref_squeeze %dma_start3A_11 : memref<1x128xi32, #tpu.memory_space<vmem>> -> memref<128xi32, #tpu.memory_space<vmem>>
    %dma_start3A_13 = arith.constant 0 : i32
    %dma_start3A_14 = arith.constant 0 : i32
    %dma_start3A_15 = tpu.memref_slice %arg3[%dma_start3A_13, %dma_start3A_14] : memref<1000000x64xf32, #tpu.memory_space<hbm>> -> memref<1000000x64xf32, #tpu.memory_space<hbm>>
    tpu.enqueue_indirect_dma source(%dma_start3A_15 : memref<1000000x64xf32, #tpu.memory_space<hbm>>) target(%arg7 : memref<128x64xf32, #tpu.memory_space<vmem>>) offsets(%dma_start3A_12 : memref<128xi32, #tpu.memory_space<vmem>>) semaphore(%arg15 : memref<!tpu.dma_semaphore, #tpu.memory_space<semaphore_mem>>)
    %dma_start3A_16 = arith.constant 2 : i32
    %dma_start3A_17 = arith.constant 0 : i32
    %dma_start3A_18 = tpu.memref_slice %arg5[%dma_start3A_16, %dma_start3A_17] : memref<200x128xi32, #tpu.memory_space<vmem>> -> memref<1x128xi32, #tpu.memory_space<vmem>>
    %dma_start3A_19 = tpu.memref_squeeze %dma_start3A_18 : memref<1x128xi32, #tpu.memory_space<vmem>> -> memref<128xi32, #tpu.memory_space<vmem>>
    %dma_start3A_20 = arith.constant 0 : i32
    %dma_start3A_21 = arith.constant 0 : i32
    %dma_start3A_22 = tpu.memref_slice %arg3[%dma_start3A_20, %dma_start3A_21] : memref<1000000x64xf32, #tpu.memory_space<hbm>> -> memref<1000000x64xf32, #tpu.memory_space<hbm>>
    tpu.enqueue_indirect_dma source(%dma_start3A_22 : memref<1000000x64xf32, #tpu.memory_space<hbm>>) target(%arg8 : memref<128x64xf32, #tpu.memory_space<vmem>>) offsets(%dma_start3A_19 : memref<128xi32, #tpu.memory_space<vmem>>) semaphore(%arg16 : memref<!tpu.dma_semaphore, #tpu.memory_space<semaphore_mem>>)
    %dma_start3A_23 = arith.constant 3 : i32
    %dma_start3A_24 = arith.constant 0 : i32
    %dma_start3A_25 = tpu.memref_slice %arg5[%dma_start3A_23, %dma_start3A_24] : memref<200x128xi32, #tpu.memory_space<vmem>> -> memref<1x128xi32, #tpu.memory_space<vmem>>
    %dma_start3A_26 = tpu.memref_squeeze %dma_start3A_25 : memref<1x128xi32, #tpu.memory_space<vmem>> -> memref<128xi32, #tpu.memory_space<vmem>>
    %dma_start3A_27 = arith.constant 0 : i32
    %dma_start3A_28 = arith.constant 0 : i32
    %dma_start3A_29 = tpu.memref_slice %arg3[%dma_start3A_27, %dma_start3A_28] : memref<1000000x64xf32, #tpu.memory_space<hbm>> -> memref<1000000x64xf32, #tpu.memory_space<hbm>>
    tpu.enqueue_indirect_dma source(%dma_start3A_29 : memref<1000000x64xf32, #tpu.memory_space<hbm>>) target(%arg9 : memref<128x64xf32, #tpu.memory_space<vmem>>) offsets(%dma_start3A_26 : memref<128xi32, #tpu.memory_space<vmem>>) semaphore(%arg17 : memref<!tpu.dma_semaphore, #tpu.memory_space<semaphore_mem>>)
    %scan3A = arith.constant 0 : i32
    %scan3A_30 = arith.constant 50 : i32
    %scan3A_31 = arith.addi %scan3A, %scan3A_30 : i32
    %scan3A_32 = arith.constant 1 : i32
    scf.for %scan3A_65 = %scan3A to %scan3A_31 step %scan3A_32  : i32 {
      %mul3A_66 = arith.constant 1 : i32
      %mul3A_67 = arith.muli %scan3A_65, %mul3A_66 : i32
      %add3A_68 = arith.constant 0 : i32
      %add3A_69 = arith.addi %add3A_68, %mul3A_67 : i32
      %mul3A_70 = arith.constant 4 : i32
      %mul3A_71 = arith.muli %add3A_69, %mul3A_70 : i32
      %add3A_72 = arith.constant 0 : i32
      %add3A_73 = arith.addi %mul3A_71, %add3A_72 : i32
      %dma_wait3A_74 = arith.constant 0 : i32
      %dma_wait3A_75 = tpu.memref_slice %arg5[%add3A_73, %dma_wait3A_74] : memref<200x128xi32, #tpu.memory_space<vmem>> -> memref<1x128xi32, #tpu.memory_space<vmem>>
      %dma_wait3A_76 = tpu.memref_squeeze %dma_wait3A_75 : memref<1x128xi32, #tpu.memory_space<vmem>> -> memref<128xi32, #tpu.memory_space<vmem>>
      %dma_wait3A_77 = arith.constant 0 : i32
      %dma_wait3A_78 = arith.constant 0 : i32
      %dma_wait3A_79 = tpu.memref_slice %arg3[%dma_wait3A_77, %dma_wait3A_78] : memref<1000000x64xf32, #tpu.memory_space<hbm>> -> memref<1000000x64xf32, #tpu.memory_space<hbm>>
      tpu.wait_indirect_dma semaphore(%arg14 : memref<!tpu.dma_semaphore, #tpu.memory_space<semaphore_mem>>) src(%dma_wait3A_79 : memref<1000000x64xf32, #tpu.memory_space<hbm>>) dst(%arg6 : memref<128x64xf32, #tpu.memory_space<vmem>>)
      %gt3A = arith.constant 0 : i32
      %gt3A_80 = arith.cmpi sgt, %add3A_69, %gt3A : i32
      %convert_element_type3A = arith.extui %gt3A_80 : i1 to i32
      %cond3A = arith.constant 0 : i32
      %cond3A_81 = arith.cmpi ne, %convert_element_type3A, %cond3A : i32
      scf.if %cond3A_81 {
        %sub3A = arith.constant 4 : i32
        %sub3A_185 = arith.subi %add3A_73, %sub3A : i32
        %add3A_186 = arith.addi %mul3A_2, %sub3A_185 : i32
        %dma_wait3A_187 = arith.constant 0 : i32
        %dma_wait3A_188 = arith.constant 0 : i32
        %dma_wait3A_189 = tpu.memref_slice %arg4[%add3A_186, %dma_wait3A_187, %dma_wait3A_188] : memref<6400x128x64xf32, #tpu.memory_space<hbm>> -> memref<1x128x64xf32, #tpu.memory_space<hbm>>
        %dma_wait3A_190 = arith.constant 0 : i32
        %dma_wait3A_191 = arith.constant 0 : i32
        %dma_wait3A_192 = tpu.memref_slice %arg4[%add3A_186, %dma_wait3A_190, %dma_wait3A_191] : memref<6400x128x64xf32, #tpu.memory_space<hbm>> -> memref<1x128x64xf32, #tpu.memory_space<hbm>>
        tpu.wait_dma2 semaphore(%arg18 : memref<!tpu.dma_semaphore, #tpu.memory_space<semaphore_mem>>) src(%arg10 : memref<1x128x64xf32, #tpu.memory_space<vmem>>) dst(%dma_wait3A_192 : memref<1x128x64xf32, #tpu.memory_space<hbm>>)
      } else {
      }
      %parallel_loop3A = arith.constant 0 : i32
      %parallel_loop3A_82 = arith.constant 128 : i32
      %parallel_loop3A_83 = arith.constant 1 : i32
      scf.for %parallel_loop3A_185 = %parallel_loop3A to %parallel_loop3A_82 step %parallel_loop3A_83  : i32 {
        %parallel_loop3A_186 = arith.index_cast %parallel_loop3A_185 : i32 to index
        %parallel_loop3A_187 = arith.constant 0 : index
        %parallel_loop3A_188 = tpu.vector_load %arg6[%parallel_loop3A_186, %parallel_loop3A_187] {strides = array<i32>} : memref<128x64xf32, #tpu.memory_space<vmem>>, vector<1x16xf32>,
        %parallel_loop3A_189 = vector.shape_cast %parallel_loop3A_188 : vector<1x16xf32> to vector<16xf32>
        %parallel_loop3A_190 = arith.constant 8.000000e+00 : f32
        %parallel_loop3A_191 = vector.broadcast %parallel_loop3A_190 : f32 to vector<16xf32>
        %parallel_loop3A_192 = arith.mulf %parallel_loop3A_189, %parallel_loop3A_191 : vector<16xf32>
        %parallel_loop3A_193 = arith.constant 0 : i32
        %parallel_loop3A_194 = arith.index_cast %parallel_loop3A_193 : i32 to index
        %parallel_loop3A_195 = arith.index_cast %parallel_loop3A_185 : i32 to index
        %parallel_loop3A_196 = arith.constant 0 : index
        %parallel_loop3A_197 = tpu.vector_load %arg10[%parallel_loop3A_194, %parallel_loop3A_195, %parallel_loop3A_196] {strides = array<i32>} : memref<1x128x64xf32, #tpu.memory_space<vmem>>, vector<1x1x16xf32>,
        %parallel_loop3A_198 = vector.shape_cast %parallel_loop3A_197 : vector<1x1x16xf32> to vector<16xf32>
        %parallel_loop3A_199 = vector.shape_cast %parallel_loop3A_192 : vector<16xf32> to vector<1x1x16xf32>
        tpu.vector_store %arg10[%parallel_loop3A_194, %parallel_loop3A_195, %parallel_loop3A_196], %parallel_loop3A_199 {strides = array<i32>} : memref<1x128x64xf32, #tpu.memory_space<vmem>>, vector<1x1x16xf32>,
        %parallel_loop3A_200 = arith.index_cast %parallel_loop3A_185 : i32 to index
        %parallel_loop3A_201 = arith.constant 16 : index
        %parallel_loop3A_202 = tpu.vector_load %arg6[%parallel_loop3A_200, %parallel_loop3A_201] {strides = array<i32>} : memref<128x64xf32, #tpu.memory_space<vmem>>, vector<1x16xf32>,
        %parallel_loop3A_203 = vector.shape_cast %parallel_loop3A_202 : vector<1x16xf32> to vector<16xf32>
        %parallel_loop3A_204 = arith.constant 8.000000e+00 : f32
        %parallel_loop3A_205 = vector.broadcast %parallel_loop3A_204 : f32 to vector<16xf32>
        %parallel_loop3A_206 = arith.mulf %parallel_loop3A_203, %parallel_loop3A_205 : vector<16xf32>
        %parallel_loop3A_207 = arith.constant 0 : i32
        %parallel_loop3A_208 = arith.index_cast %parallel_loop3A_207 : i32 to index
        %parallel_loop3A_209 = arith.index_cast %parallel_loop3A_185 : i32 to index
        %parallel_loop3A_210 = arith.constant 16 : index
        %parallel_loop3A_211 = tpu.vector_load %arg10[%parallel_loop3A_208, %parallel_loop3A_209, %parallel_loop3A_210] {strides = array<i32>} : memref<1x128x64xf32, #tpu.memory_space<vmem>>, vector<1x1x16xf32>,
        %parallel_loop3A_212 = vector.shape_cast %parallel_loop3A_211 : vector<1x1x16xf32> to vector<16xf32>
        %parallel_loop3A_213 = vector.shape_cast %parallel_loop3A_206 : vector<16xf32> to vector<1x1x16xf32>
        tpu.vector_store %arg10[%parallel_loop3A_208, %parallel_loop3A_209, %parallel_loop3A_210], %parallel_loop3A_213 {strides = array<i32>} : memref<1x128x64xf32, #tpu.memory_space<vmem>>, vector<1x1x16xf32>,
        %parallel_loop3A_214 = arith.index_cast %parallel_loop3A_185 : i32 to index
        %parallel_loop3A_215 = arith.constant 32 : index
        %parallel_loop3A_216 = tpu.vector_load %arg6[%parallel_loop3A_214, %parallel_loop3A_215] {strides = array<i32>} : memref<128x64xf32, #tpu.memory_space<vmem>>, vector<1x16xf32>,
        %parallel_loop3A_217 = vector.shape_cast %parallel_loop3A_216 : vector<1x16xf32> to vector<16xf32>
        %parallel_loop3A_218 = arith.constant 8.000000e+00 : f32
        %parallel_loop3A_219 = vector.broadcast %parallel_loop3A_218 : f32 to vector<16xf32>
        %parallel_loop3A_220 = arith.mulf %parallel_loop3A_217, %parallel_loop3A_219 : vector<16xf32>
        %parallel_loop3A_221 = arith.constant 0 : i32
        %parallel_loop3A_222 = arith.index_cast %parallel_loop3A_221 : i32 to index
        %parallel_loop3A_223 = arith.index_cast %parallel_loop3A_185 : i32 to index
        %parallel_loop3A_224 = arith.constant 32 : index
        %parallel_loop3A_225 = tpu.vector_load %arg10[%parallel_loop3A_222, %parallel_loop3A_223, %parallel_loop3A_224] {strides = array<i32>} : memref<1x128x64xf32, #tpu.memory_space<vmem>>, vector<1x1x16xf32>,
        %parallel_loop3A_226 = vector.shape_cast %parallel_loop3A_225 : vector<1x1x16xf32> to vector<16xf32>
        %parallel_loop3A_227 = vector.shape_cast %parallel_loop3A_220 : vector<16xf32> to vector<1x1x16xf32>
        tpu.vector_store %arg10[%parallel_loop3A_222, %parallel_loop3A_223, %parallel_loop3A_224], %parallel_loop3A_227 {strides = array<i32>} : memref<1x128x64xf32, #tpu.memory_space<vmem>>, vector<1x1x16xf32>,
        %parallel_loop3A_228 = arith.index_cast %parallel_loop3A_185 : i32 to index
        %parallel_loop3A_229 = arith.constant 48 : index
        %parallel_loop3A_230 = tpu.vector_load %arg6[%parallel_loop3A_228, %parallel_loop3A_229] {strides = array<i32>} : memref<128x64xf32, #tpu.memory_space<vmem>>, vector<1x16xf32>,
        %parallel_loop3A_231 = vector.shape_cast %parallel_loop3A_230 : vector<1x16xf32> to vector<16xf32>
        %parallel_loop3A_232 = arith.constant 8.000000e+00 : f32
        %parallel_loop3A_233 = vector.broadcast %parallel_loop3A_232 : f32 to vector<16xf32>
        %parallel_loop3A_234 = arith.mulf %parallel_loop3A_231, %parallel_loop3A_233 : vector<16xf32>
        %parallel_loop3A_235 = arith.constant 0 : i32
        %parallel_loop3A_236 = arith.index_cast %parallel_loop3A_235 : i32 to index
        %parallel_loop3A_237 = arith.index_cast %parallel_loop3A_185 : i32 to index
        %parallel_loop3A_238 = arith.constant 48 : index
        %parallel_loop3A_239 = tpu.vector_load %arg10[%parallel_loop3A_236, %parallel_loop3A_237, %parallel_loop3A_238] {strides = array<i32>} : memref<1x128x64xf32, #tpu.memory_space<vmem>>, vector<1x1x16xf32>,
        %parallel_loop3A_240 = vector.shape_cast %parallel_loop3A_239 : vector<1x1x16xf32> to vector<16xf32>
        %parallel_loop3A_241 = vector.shape_cast %parallel_loop3A_234 : vector<16xf32> to vector<1x1x16xf32>
        tpu.vector_store %arg10[%parallel_loop3A_236, %parallel_loop3A_237, %parallel_loop3A_238], %parallel_loop3A_241 {strides = array<i32>} : memref<1x128x64xf32, #tpu.memory_space<vmem>>, vector<1x1x16xf32>,
      } {sc.loop_unroll_factor = 8 : i64, sc.parallel_access}
      %add3A_84 = arith.addi %mul3A_2, %add3A_73 : i32
      %dma_start3A_85 = arith.constant 0 : i32
      %dma_start3A_86 = arith.constant 0 : i32
      %dma_start3A_87 = tpu.memref_slice %arg4[%add3A_84, %dma_start3A_85, %dma_start3A_86] : memref<6400x128x64xf32, #tpu.memory_space<hbm>> -> memref<1x128x64xf32, #tpu.memory_space<hbm>>
      %dma_start3A_88 = arith.constant 0 : i32
      %dma_start3A_89 = arith.constant 0 : i32
      %dma_start3A_90 = tpu.memref_slice %arg4[%add3A_84, %dma_start3A_88, %dma_start3A_89] : memref<6400x128x64xf32, #tpu.memory_space<hbm>> -> memref<1x128x64xf32, #tpu.memory_space<hbm>>
      tpu.enqueue_dma source(%arg10 : memref<1x128x64xf32, #tpu.memory_space<vmem>>) target(%dma_start3A_90 : memref<1x128x64xf32, #tpu.memory_space<hbm>>) target_semaphore(%arg18 : memref<!tpu.dma_semaphore, #tpu.memory_space<semaphore_mem>>)
      %lt3A = arith.constant 49 : i32
      %lt3A_91 = arith.cmpi slt, %add3A_69, %lt3A : i32
      %convert_element_type3A_92 = arith.extui %lt3A_91 : i1 to i32
      %cond3A_93 = arith.constant 0 : i32
      %cond3A_94 = arith.cmpi ne, %convert_element_type3A_92, %cond3A_93 : i32
      scf.if %cond3A_94 {
        %add3A_185 = arith.constant 4 : i32
        %add3A_186 = arith.addi %add3A_73, %add3A_185 : i32
        %dma_start3A_187 = arith.constant 0 : i32
        %dma_start3A_188 = tpu.memref_slice %arg5[%add3A_186, %dma_start3A_187] : memref<200x128xi32, #tpu.memory_space<vmem>> -> memref<1x128xi32, #tpu.memory_space<vmem>>
        %dma_start3A_189 = tpu.memref_squeeze %dma_start3A_188 : memref<1x128xi32, #tpu.memory_space<vmem>> -> memref<128xi32, #tpu.memory_space<vmem>>
        %dma_start3A_190 = arith.constant 0 : i32
        %dma_start3A_191 = arith.constant 0 : i32
        %dma_start3A_192 = tpu.memref_slice %arg3[%dma_start3A_190, %dma_start3A_191] : memref<1000000x64xf32, #tpu.memory_space<hbm>> -> memref<1000000x64xf32, #tpu.memory_space<hbm>>
        tpu.enqueue_indirect_dma source(%dma_start3A_192 : memref<1000000x64xf32, #tpu.memory_space<hbm>>) target(%arg6 : memref<128x64xf32, #tpu.memory_space<vmem>>) offsets(%dma_start3A_189 : memref<128xi32, #tpu.memory_space<vmem>>) semaphore(%arg14 : memref<!tpu.dma_semaphore, #tpu.memory_space<semaphore_mem>>)
      } else {
      }
      %mul3A_95 = arith.constant 4 : i32
      %mul3A_96 = arith.muli %add3A_69, %mul3A_95 : i32
      %add3A_97 = arith.constant 1 : i32
      %add3A_98 = arith.addi %mul3A_96, %add3A_97 : i32
      %dma_wait3A_99 = arith.constant 0 : i32
      %dma_wait3A_100 = tpu.memref_slice %arg5[%add3A_98, %dma_wait3A_99] : memref<200x128xi32, #tpu.memory_space<vmem>> -> memref<1x128xi32, #tpu.memory_space<vmem>>
      %dma_wait3A_101 = tpu.memref_squeeze %dma_wait3A_100 : memref<1x128xi32, #tpu.memory_space<vmem>> -> memref<128xi32, #tpu.memory_space<vmem>>
      %dma_wait3A_102 = arith.constant 0 : i32
      %dma_wait3A_103 = arith.constant 0 : i32
      %dma_wait3A_104 = tpu.memref_slice %arg3[%dma_wait3A_102, %dma_wait3A_103] : memref<1000000x64xf32, #tpu.memory_space<hbm>> -> memref<1000000x64xf32, #tpu.memory_space<hbm>>
      tpu.wait_indirect_dma semaphore(%arg15 : memref<!tpu.dma_semaphore, #tpu.memory_space<semaphore_mem>>) src(%dma_wait3A_104 : memref<1000000x64xf32, #tpu.memory_space<hbm>>) dst(%arg7 : memref<128x64xf32, #tpu.memory_space<vmem>>)
      %gt3A_105 = arith.constant 0 : i32
      %gt3A_106 = arith.cmpi sgt, %add3A_69, %gt3A_105 : i32
      %convert_element_type3A_107 = arith.extui %gt3A_106 : i1 to i32
      %cond3A_108 = arith.constant 0 : i32
      %cond3A_109 = arith.cmpi ne, %convert_element_type3A_107, %cond3A_108 : i32
      scf.if %cond3A_109 {
        %sub3A = arith.constant 4 : i32
        %sub3A_185 = arith.subi %add3A_98, %sub3A : i32
        %add3A_186 = arith.addi %mul3A_2, %sub3A_185 : i32
        %dma_wait3A_187 = arith.constant 0 : i32
        %dma_wait3A_188 = arith.constant 0 : i32
        %dma_wait3A_189 = tpu.memref_slice %arg4[%add3A_186, %dma_wait3A_187, %dma_wait3A_188] : memref<6400x128x64xf32, #tpu.memory_space<hbm>> -> memref<1x128x64xf32, #tpu.memory_space<hbm>>
        %dma_wait3A_190 = arith.constant 0 : i32
        %dma_wait3A_191 = arith.constant 0 : i32
        %dma_wait3A_192 = tpu.memref_slice %arg4[%add3A_186, %dma_wait3A_190, %dma_wait3A_191] : memref<6400x128x64xf32, #tpu.memory_space<hbm>> -> memref<1x128x64xf32, #tpu.memory_space<hbm>>
        tpu.wait_dma2 semaphore(%arg19 : memref<!tpu.dma_semaphore, #tpu.memory_space<semaphore_mem>>) src(%arg11 : memref<1x128x64xf32, #tpu.memory_space<vmem>>) dst(%dma_wait3A_192 : memref<1x128x64xf32, #tpu.memory_space<hbm>>)
      } else {
      }
      %parallel_loop3A_110 = arith.constant 0 : i32
      %parallel_loop3A_111 = arith.constant 128 : i32
      %parallel_loop3A_112 = arith.constant 1 : i32
      scf.for %parallel_loop3A_185 = %parallel_loop3A_110 to %parallel_loop3A_111 step %parallel_loop3A_112  : i32 {
        %parallel_loop3A_186 = arith.index_cast %parallel_loop3A_185 : i32 to index
        %parallel_loop3A_187 = arith.constant 0 : index
        %parallel_loop3A_188 = tpu.vector_load %arg7[%parallel_loop3A_186, %parallel_loop3A_187] {strides = array<i32>} : memref<128x64xf32, #tpu.memory_space<vmem>>, vector<1x16xf32>,
        %parallel_loop3A_189 = vector.shape_cast %parallel_loop3A_188 : vector<1x16xf32> to vector<16xf32>
        %parallel_loop3A_190 = arith.constant 8.000000e+00 : f32
        %parallel_loop3A_191 = vector.broadcast %parallel_loop3A_190 : f32 to vector<16xf32>
        %parallel_loop3A_192 = arith.mulf %parallel_loop3A_189, %parallel_loop3A_191 : vector<16xf32>
        %parallel_loop3A_193 = arith.constant 0 : i32
        %parallel_loop3A_194 = arith.index_cast %parallel_loop3A_193 : i32 to index
        %parallel_loop3A_195 = arith.index_cast %parallel_loop3A_185 : i32 to index
        %parallel_loop3A_196 = arith.constant 0 : index
        %parallel_loop3A_197 = tpu.vector_load %arg11[%parallel_loop3A_194, %parallel_loop3A_195, %parallel_loop3A_196] {strides = array<i32>} : memref<1x128x64xf32, #tpu.memory_space<vmem>>, vector<1x1x16xf32>,
        %parallel_loop3A_198 = vector.shape_cast %parallel_loop3A_197 : vector<1x1x16xf32> to vector<16xf32>
        %parallel_loop3A_199 = vector.shape_cast %parallel_loop3A_192 : vector<16xf32> to vector<1x1x16xf32>
        tpu.vector_store %arg11[%parallel_loop3A_194, %parallel_loop3A_195, %parallel_loop3A_196], %parallel_loop3A_199 {strides = array<i32>} : memref<1x128x64xf32, #tpu.memory_space<vmem>>, vector<1x1x16xf32>,
        %parallel_loop3A_200 = arith.index_cast %parallel_loop3A_185 : i32 to index
        %parallel_loop3A_201 = arith.constant 16 : index
        %parallel_loop3A_202 = tpu.vector_load %arg7[%parallel_loop3A_200, %parallel_loop3A_201] {strides = array<i32>} : memref<128x64xf32, #tpu.memory_space<vmem>>, vector<1x16xf32>,
        %parallel_loop3A_203 = vector.shape_cast %parallel_loop3A_202 : vector<1x16xf32> to vector<16xf32>
        %parallel_loop3A_204 = arith.constant 8.000000e+00 : f32
        %parallel_loop3A_205 = vector.broadcast %parallel_loop3A_204 : f32 to vector<16xf32>
        %parallel_loop3A_206 = arith.mulf %parallel_loop3A_203, %parallel_loop3A_205 : vector<16xf32>
        %parallel_loop3A_207 = arith.constant 0 : i32
        %parallel_loop3A_208 = arith.index_cast %parallel_loop3A_207 : i32 to index
        %parallel_loop3A_209 = arith.index_cast %parallel_loop3A_185 : i32 to index
        %parallel_loop3A_210 = arith.constant 16 : index
        %parallel_loop3A_211 = tpu.vector_load %arg11[%parallel_loop3A_208, %parallel_loop3A_209, %parallel_loop3A_210] {strides = array<i32>} : memref<1x128x64xf32, #tpu.memory_space<vmem>>, vector<1x1x16xf32>,
        %parallel_loop3A_212 = vector.shape_cast %parallel_loop3A_211 : vector<1x1x16xf32> to vector<16xf32>
        %parallel_loop3A_213 = vector.shape_cast %parallel_loop3A_206 : vector<16xf32> to vector<1x1x16xf32>
        tpu.vector_store %arg11[%parallel_loop3A_208, %parallel_loop3A_209, %parallel_loop3A_210], %parallel_loop3A_213 {strides = array<i32>} : memref<1x128x64xf32, #tpu.memory_space<vmem>>, vector<1x1x16xf32>,
        %parallel_loop3A_214 = arith.index_cast %parallel_loop3A_185 : i32 to index
        %parallel_loop3A_215 = arith.constant 32 : index
        %parallel_loop3A_216 = tpu.vector_load %arg7[%parallel_loop3A_214, %parallel_loop3A_215] {strides = array<i32>} : memref<128x64xf32, #tpu.memory_space<vmem>>, vector<1x16xf32>,
        %parallel_loop3A_217 = vector.shape_cast %parallel_loop3A_216 : vector<1x16xf32> to vector<16xf32>
        %parallel_loop3A_218 = arith.constant 8.000000e+00 : f32
        %parallel_loop3A_219 = vector.broadcast %parallel_loop3A_218 : f32 to vector<16xf32>
        %parallel_loop3A_220 = arith.mulf %parallel_loop3A_217, %parallel_loop3A_219 : vector<16xf32>
        %parallel_loop3A_221 = arith.constant 0 : i32
        %parallel_loop3A_222 = arith.index_cast %parallel_loop3A_221 : i32 to index
        %parallel_loop3A_223 = arith.index_cast %parallel_loop3A_185 : i32 to index
        %parallel_loop3A_224 = arith.constant 32 : index
        %parallel_loop3A_225 = tpu.vector_load %arg11[%parallel_loop3A_222, %parallel_loop3A_223, %parallel_loop3A_224] {strides = array<i32>} : memref<1x128x64xf32, #tpu.memory_space<vmem>>, vector<1x1x16xf32>,
        %parallel_loop3A_226 = vector.shape_cast %parallel_loop3A_225 : vector<1x1x16xf32> to vector<16xf32>
        %parallel_loop3A_227 = vector.shape_cast %parallel_loop3A_220 : vector<16xf32> to vector<1x1x16xf32>
        tpu.vector_store %arg11[%parallel_loop3A_222, %parallel_loop3A_223, %parallel_loop3A_224], %parallel_loop3A_227 {strides = array<i32>} : memref<1x128x64xf32, #tpu.memory_space<vmem>>, vector<1x1x16xf32>,
        %parallel_loop3A_228 = arith.index_cast %parallel_loop3A_185 : i32 to index
        %parallel_loop3A_229 = arith.constant 48 : index
        %parallel_loop3A_230 = tpu.vector_load %arg7[%parallel_loop3A_228, %parallel_loop3A_229] {strides = array<i32>} : memref<128x64xf32, #tpu.memory_space<vmem>>, vector<1x16xf32>,
        %parallel_loop3A_231 = vector.shape_cast %parallel_loop3A_230 : vector<1x16xf32> to vector<16xf32>
        %parallel_loop3A_232 = arith.constant 8.000000e+00 : f32
        %parallel_loop3A_233 = vector.broadcast %parallel_loop3A_232 : f32 to vector<16xf32>
        %parallel_loop3A_234 = arith.mulf %parallel_loop3A_231, %parallel_loop3A_233 : vector<16xf32>
        %parallel_loop3A_235 = arith.constant 0 : i32
        %parallel_loop3A_236 = arith.index_cast %parallel_loop3A_235 : i32 to index
        %parallel_loop3A_237 = arith.index_cast %parallel_loop3A_185 : i32 to index
        %parallel_loop3A_238 = arith.constant 48 : index
        %parallel_loop3A_239 = tpu.vector_load %arg11[%parallel_loop3A_236, %parallel_loop3A_237, %parallel_loop3A_238] {strides = array<i32>} : memref<1x128x64xf32, #tpu.memory_space<vmem>>, vector<1x1x16xf32>,
        %parallel_loop3A_240 = vector.shape_cast %parallel_loop3A_239 : vector<1x1x16xf32> to vector<16xf32>
        %parallel_loop3A_241 = vector.shape_cast %parallel_loop3A_234 : vector<16xf32> to vector<1x1x16xf32>
        tpu.vector_store %arg11[%parallel_loop3A_236, %parallel_loop3A_237, %parallel_loop3A_238], %parallel_loop3A_241 {strides = array<i32>} : memref<1x128x64xf32, #tpu.memory_space<vmem>>, vector<1x1x16xf32>,
      } {sc.loop_unroll_factor = 8 : i64, sc.parallel_access}
      %add3A_113 = arith.addi %mul3A_2, %add3A_98 : i32
      %dma_start3A_114 = arith.constant 0 : i32
      %dma_start3A_115 = arith.constant 0 : i32
      %dma_start3A_116 = tpu.memref_slice %arg4[%add3A_113, %dma_start3A_114, %dma_start3A_115] : memref<6400x128x64xf32, #tpu.memory_space<hbm>> -> memref<1x128x64xf32, #tpu.memory_space<hbm>>
      %dma_start3A_117 = arith.constant 0 : i32
      %dma_start3A_118 = arith.constant 0 : i32
      %dma_start3A_119 = tpu.memref_slice %arg4[%add3A_113, %dma_start3A_117, %dma_start3A_118] : memref<6400x128x64xf32, #tpu.memory_space<hbm>> -> memref<1x128x64xf32, #tpu.memory_space<hbm>>
      tpu.enqueue_dma source(%arg11 : memref<1x128x64xf32, #tpu.memory_space<vmem>>) target(%dma_start3A_119 : memref<1x128x64xf32, #tpu.memory_space<hbm>>) target_semaphore(%arg19 : memref<!tpu.dma_semaphore, #tpu.memory_space<semaphore_mem>>)
      %lt3A_120 = arith.constant 49 : i32
      %lt3A_121 = arith.cmpi slt, %add3A_69, %lt3A_120 : i32
      %convert_element_type3A_122 = arith.extui %lt3A_121 : i1 to i32
      %cond3A_123 = arith.constant 0 : i32
      %cond3A_124 = arith.cmpi ne, %convert_element_type3A_122, %cond3A_123 : i32
      scf.if %cond3A_124 {
        %add3A_185 = arith.constant 4 : i32
        %add3A_186 = arith.addi %add3A_98, %add3A_185 : i32
        %dma_start3A_187 = arith.constant 0 : i32
        %dma_start3A_188 = tpu.memref_slice %arg5[%add3A_186, %dma_start3A_187] : memref<200x128xi32, #tpu.memory_space<vmem>> -> memref<1x128xi32, #tpu.memory_space<vmem>>
        %dma_start3A_189 = tpu.memref_squeeze %dma_start3A_188 : memref<1x128xi32, #tpu.memory_space<vmem>> -> memref<128xi32, #tpu.memory_space<vmem>>
        %dma_start3A_190 = arith.constant 0 : i32
        %dma_start3A_191 = arith.constant 0 : i32
        %dma_start3A_192 = tpu.memref_slice %arg3[%dma_start3A_190, %dma_start3A_191] : memref<1000000x64xf32, #tpu.memory_space<hbm>> -> memref<1000000x64xf32, #tpu.memory_space<hbm>>
        tpu.enqueue_indirect_dma source(%dma_start3A_192 : memref<1000000x64xf32, #tpu.memory_space<hbm>>) target(%arg7 : memref<128x64xf32, #tpu.memory_space<vmem>>) offsets(%dma_start3A_189 : memref<128xi32, #tpu.memory_space<vmem>>) semaphore(%arg15 : memref<!tpu.dma_semaphore, #tpu.memory_space<semaphore_mem>>)
      } else {
      }
      %mul3A_125 = arith.constant 4 : i32
      %mul3A_126 = arith.muli %add3A_69, %mul3A_125 : i32
      %add3A_127 = arith.constant 2 : i32
      %add3A_128 = arith.addi %mul3A_126, %add3A_127 : i32
      %dma_wait3A_129 = arith.constant 0 : i32
      %dma_wait3A_130 = tpu.memref_slice %arg5[%add3A_128, %dma_wait3A_129] : memref<200x128xi32, #tpu.memory_space<vmem>> -> memref<1x128xi32, #tpu.memory_space<vmem>>
      %dma_wait3A_131 = tpu.memref_squeeze %dma_wait3A_130 : memref<1x128xi32, #tpu.memory_space<vmem>> -> memref<128xi32, #tpu.memory_space<vmem>>
      %dma_wait3A_132 = arith.constant 0 : i32
      %dma_wait3A_133 = arith.constant 0 : i32
      %dma_wait3A_134 = tpu.memref_slice %arg3[%dma_wait3A_132, %dma_wait3A_133] : memref<1000000x64xf32, #tpu.memory_space<hbm>> -> memref<1000000x64xf32, #tpu.memory_space<hbm>>
      tpu.wait_indirect_dma semaphore(%arg16 : memref<!tpu.dma_semaphore, #tpu.memory_space<semaphore_mem>>) src(%dma_wait3A_134 : memref<1000000x64xf32, #tpu.memory_space<hbm>>) dst(%arg8 : memref<128x64xf32, #tpu.memory_space<vmem>>)
      %gt3A_135 = arith.constant 0 : i32
      %gt3A_136 = arith.cmpi sgt, %add3A_69, %gt3A_135 : i32
      %convert_element_type3A_137 = arith.extui %gt3A_136 : i1 to i32
      %cond3A_138 = arith.constant 0 : i32
      %cond3A_139 = arith.cmpi ne, %convert_element_type3A_137, %cond3A_138 : i32
      scf.if %cond3A_139 {
        %sub3A = arith.constant 4 : i32
        %sub3A_185 = arith.subi %add3A_128, %sub3A : i32
        %add3A_186 = arith.addi %mul3A_2, %sub3A_185 : i32
        %dma_wait3A_187 = arith.constant 0 : i32
        %dma_wait3A_188 = arith.constant 0 : i32
        %dma_wait3A_189 = tpu.memref_slice %arg4[%add3A_186, %dma_wait3A_187, %dma_wait3A_188] : memref<6400x128x64xf32, #tpu.memory_space<hbm>> -> memref<1x128x64xf32, #tpu.memory_space<hbm>>
        %dma_wait3A_190 = arith.constant 0 : i32
        %dma_wait3A_191 = arith.constant 0 : i32
        %dma_wait3A_192 = tpu.memref_slice %arg4[%add3A_186, %dma_wait3A_190, %dma_wait3A_191] : memref<6400x128x64xf32, #tpu.memory_space<hbm>> -> memref<1x128x64xf32, #tpu.memory_space<hbm>>
        tpu.wait_dma2 semaphore(%arg20 : memref<!tpu.dma_semaphore, #tpu.memory_space<semaphore_mem>>) src(%arg12 : memref<1x128x64xf32, #tpu.memory_space<vmem>>) dst(%dma_wait3A_192 : memref<1x128x64xf32, #tpu.memory_space<hbm>>)
      } else {
      }
      %parallel_loop3A_140 = arith.constant 0 : i32
      %parallel_loop3A_141 = arith.constant 128 : i32
      %parallel_loop3A_142 = arith.constant 1 : i32
      scf.for %parallel_loop3A_185 = %parallel_loop3A_140 to %parallel_loop3A_141 step %parallel_loop3A_142  : i32 {
        %parallel_loop3A_186 = arith.index_cast %parallel_loop3A_185 : i32 to index
        %parallel_loop3A_187 = arith.constant 0 : index
        %parallel_loop3A_188 = tpu.vector_load %arg8[%parallel_loop3A_186, %parallel_loop3A_187] {strides = array<i32>} : memref<128x64xf32, #tpu.memory_space<vmem>>, vector<1x16xf32>,
        %parallel_loop3A_189 = vector.shape_cast %parallel_loop3A_188 : vector<1x16xf32> to vector<16xf32>
        %parallel_loop3A_190 = arith.constant 8.000000e+00 : f32
        %parallel_loop3A_191 = vector.broadcast %parallel_loop3A_190 : f32 to vector<16xf32>
        %parallel_loop3A_192 = arith.mulf %parallel_loop3A_189, %parallel_loop3A_191 : vector<16xf32>
        %parallel_loop3A_193 = arith.constant 0 : i32
        %parallel_loop3A_194 = arith.index_cast %parallel_loop3A_193 : i32 to index
        %parallel_loop3A_195 = arith.index_cast %parallel_loop3A_185 : i32 to index
        %parallel_loop3A_196 = arith.constant 0 : index
        %parallel_loop3A_197 = tpu.vector_load %arg12[%parallel_loop3A_194, %parallel_loop3A_195, %parallel_loop3A_196] {strides = array<i32>} : memref<1x128x64xf32, #tpu.memory_space<vmem>>, vector<1x1x16xf32>,
        %parallel_loop3A_198 = vector.shape_cast %parallel_loop3A_197 : vector<1x1x16xf32> to vector<16xf32>
        %parallel_loop3A_199 = vector.shape_cast %parallel_loop3A_192 : vector<16xf32> to vector<1x1x16xf32>
        tpu.vector_store %arg12[%parallel_loop3A_194, %parallel_loop3A_195, %parallel_loop3A_196], %parallel_loop3A_199 {strides = array<i32>} : memref<1x128x64xf32, #tpu.memory_space<vmem>>, vector<1x1x16xf32>,
        %parallel_loop3A_200 = arith.index_cast %parallel_loop3A_185 : i32 to index
        %parallel_loop3A_201 = arith.constant 16 : index
        %parallel_loop3A_202 = tpu.vector_load %arg8[%parallel_loop3A_200, %parallel_loop3A_201] {strides = array<i32>} : memref<128x64xf32, #tpu.memory_space<vmem>>, vector<1x16xf32>,
        %parallel_loop3A_203 = vector.shape_cast %parallel_loop3A_202 : vector<1x16xf32> to vector<16xf32>
        %parallel_loop3A_204 = arith.constant 8.000000e+00 : f32
        %parallel_loop3A_205 = vector.broadcast %parallel_loop3A_204 : f32 to vector<16xf32>
        %parallel_loop3A_206 = arith.mulf %parallel_loop3A_203, %parallel_loop3A_205 : vector<16xf32>
        %parallel_loop3A_207 = arith.constant 0 : i32
        %parallel_loop3A_208 = arith.index_cast %parallel_loop3A_207 : i32 to index
        %parallel_loop3A_209 = arith.index_cast %parallel_loop3A_185 : i32 to index
        %parallel_loop3A_210 = arith.constant 16 : index
        %parallel_loop3A_211 = tpu.vector_load %arg12[%parallel_loop3A_208, %parallel_loop3A_209, %parallel_loop3A_210] {strides = array<i32>} : memref<1x128x64xf32, #tpu.memory_space<vmem>>, vector<1x1x16xf32>,
        %parallel_loop3A_212 = vector.shape_cast %parallel_loop3A_211 : vector<1x1x16xf32> to vector<16xf32>
        %parallel_loop3A_213 = vector.shape_cast %parallel_loop3A_206 : vector<16xf32> to vector<1x1x16xf32>
        tpu.vector_store %arg12[%parallel_loop3A_208, %parallel_loop3A_209, %parallel_loop3A_210], %parallel_loop3A_213 {strides = array<i32>} : memref<1x128x64xf32, #tpu.memory_space<vmem>>, vector<1x1x16xf32>,
        %parallel_loop3A_214 = arith.index_cast %parallel_loop3A_185 : i32 to index
        %parallel_loop3A_215 = arith.constant 32 : index
        %parallel_loop3A_216 = tpu.vector_load %arg8[%parallel_loop3A_214, %parallel_loop3A_215] {strides = array<i32>} : memref<128x64xf32, #tpu.memory_space<vmem>>, vector<1x16xf32>,
        %parallel_loop3A_217 = vector.shape_cast %parallel_loop3A_216 : vector<1x16xf32> to vector<16xf32>
        %parallel_loop3A_218 = arith.constant 8.000000e+00 : f32
        %parallel_loop3A_219 = vector.broadcast %parallel_loop3A_218 : f32 to vector<16xf32>
        %parallel_loop3A_220 = arith.mulf %parallel_loop3A_217, %parallel_loop3A_219 : vector<16xf32>
        %parallel_loop3A_221 = arith.constant 0 : i32
        %parallel_loop3A_222 = arith.index_cast %parallel_loop3A_221 : i32 to index
        %parallel_loop3A_223 = arith.index_cast %parallel_loop3A_185 : i32 to index
        %parallel_loop3A_224 = arith.constant 32 : index
        %parallel_loop3A_225 = tpu.vector_load %arg12[%parallel_loop3A_222, %parallel_loop3A_223, %parallel_loop3A_224] {strides = array<i32>} : memref<1x128x64xf32, #tpu.memory_space<vmem>>, vector<1x1x16xf32>,
        %parallel_loop3A_226 = vector.shape_cast %parallel_loop3A_225 : vector<1x1x16xf32> to vector<16xf32>
        %parallel_loop3A_227 = vector.shape_cast %parallel_loop3A_220 : vector<16xf32> to vector<1x1x16xf32>
        tpu.vector_store %arg12[%parallel_loop3A_222, %parallel_loop3A_223, %parallel_loop3A_224], %parallel_loop3A_227 {strides = array<i32>} : memref<1x128x64xf32, #tpu.memory_space<vmem>>, vector<1x1x16xf32>,
        %parallel_loop3A_228 = arith.index_cast %parallel_loop3A_185 : i32 to index
        %parallel_loop3A_229 = arith.constant 48 : index
        %parallel_loop3A_230 = tpu.vector_load %arg8[%parallel_loop3A_228, %parallel_loop3A_229] {strides = array<i32>} : memref<128x64xf32, #tpu.memory_space<vmem>>, vector<1x16xf32>,
        %parallel_loop3A_231 = vector.shape_cast %parallel_loop3A_230 : vector<1x16xf32> to vector<16xf32>
        %parallel_loop3A_232 = arith.constant 8.000000e+00 : f32
        %parallel_loop3A_233 = vector.broadcast %parallel_loop3A_232 : f32 to vector<16xf32>
        %parallel_loop3A_234 = arith.mulf %parallel_loop3A_231, %parallel_loop3A_233 : vector<16xf32>
        %parallel_loop3A_235 = arith.constant 0 : i32
        %parallel_loop3A_236 = arith.index_cast %parallel_loop3A_235 : i32 to index
        %parallel_loop3A_237 = arith.index_cast %parallel_loop3A_185 : i32 to index
        %parallel_loop3A_238 = arith.constant 48 : index
        %parallel_loop3A_239 = tpu.vector_load %arg12[%parallel_loop3A_236, %parallel_loop3A_237, %parallel_loop3A_238] {strides = array<i32>} : memref<1x128x64xf32, #tpu.memory_space<vmem>>, vector<1x1x16xf32>,
        %parallel_loop3A_240 = vector.shape_cast %parallel_loop3A_239 : vector<1x1x16xf32> to vector<16xf32>
        %parallel_loop3A_241 = vector.shape_cast %parallel_loop3A_234 : vector<16xf32> to vector<1x1x16xf32>
        tpu.vector_store %arg12[%parallel_loop3A_236, %parallel_loop3A_237, %parallel_loop3A_238], %parallel_loop3A_241 {strides = array<i32>} : memref<1x128x64xf32, #tpu.memory_space<vmem>>, vector<1x1x16xf32>,
      } {sc.loop_unroll_factor = 8 : i64, sc.parallel_access}
      %add3A_143 = arith.addi %mul3A_2, %add3A_128 : i32
      %dma_start3A_144 = arith.constant 0 : i32
      %dma_start3A_145 = arith.constant 0 : i32
      %dma_start3A_146 = tpu.memref_slice %arg4[%add3A_143, %dma_start3A_144, %dma_start3A_145] : memref<6400x128x64xf32, #tpu.memory_space<hbm>> -> memref<1x128x64xf32, #tpu.memory_space<hbm>>
      %dma_start3A_147 = arith.constant 0 : i32
      %dma_start3A_148 = arith.constant 0 : i32
      %dma_start3A_149 = tpu.memref_slice %arg4[%add3A_143, %dma_start3A_147, %dma_start3A_148] : memref<6400x128x64xf32, #tpu.memory_space<hbm>> -> memref<1x128x64xf32, #tpu.memory_space<hbm>>
      tpu.enqueue_dma source(%arg12 : memref<1x128x64xf32, #tpu.memory_space<vmem>>) target(%dma_start3A_149 : memref<1x128x64xf32, #tpu.memory_space<hbm>>) target_semaphore(%arg20 : memref<!tpu.dma_semaphore, #tpu.memory_space<semaphore_mem>>)
      %lt3A_150 = arith.constant 49 : i32
      %lt3A_151 = arith.cmpi slt, %add3A_69, %lt3A_150 : i32
      %convert_element_type3A_152 = arith.extui %lt3A_151 : i1 to i32
      %cond3A_153 = arith.constant 0 : i32
      %cond3A_154 = arith.cmpi ne, %convert_element_type3A_152, %cond3A_153 : i32
      scf.if %cond3A_154 {
        %add3A_185 = arith.constant 4 : i32
        %add3A_186 = arith.addi %add3A_128, %add3A_185 : i32
        %dma_start3A_187 = arith.constant 0 : i32
        %dma_start3A_188 = tpu.memref_slice %arg5[%add3A_186, %dma_start3A_187] : memref<200x128xi32, #tpu.memory_space<vmem>> -> memref<1x128xi32, #tpu.memory_space<vmem>>
        %dma_start3A_189 = tpu.memref_squeeze %dma_start3A_188 : memref<1x128xi32, #tpu.memory_space<vmem>> -> memref<128xi32, #tpu.memory_space<vmem>>
        %dma_start3A_190 = arith.constant 0 : i32
        %dma_start3A_191 = arith.constant 0 : i32
        %dma_start3A_192 = tpu.memref_slice %arg3[%dma_start3A_190, %dma_start3A_191] : memref<1000000x64xf32, #tpu.memory_space<hbm>> -> memref<1000000x64xf32, #tpu.memory_space<hbm>>
        tpu.enqueue_indirect_dma source(%dma_start3A_192 : memref<1000000x64xf32, #tpu.memory_space<hbm>>) target(%arg8 : memref<128x64xf32, #tpu.memory_space<vmem>>) offsets(%dma_start3A_189 : memref<128xi32, #tpu.memory_space<vmem>>) semaphore(%arg16 : memref<!tpu.dma_semaphore, #tpu.memory_space<semaphore_mem>>)
      } else {
      }
      %mul3A_155 = arith.constant 4 : i32
      %mul3A_156 = arith.muli %add3A_69, %mul3A_155 : i32
      %add3A_157 = arith.constant 3 : i32
      %add3A_158 = arith.addi %mul3A_156, %add3A_157 : i32
      %dma_wait3A_159 = arith.constant 0 : i32
      %dma_wait3A_160 = tpu.memref_slice %arg5[%add3A_158, %dma_wait3A_159] : memref<200x128xi32, #tpu.memory_space<vmem>> -> memref<1x128xi32, #tpu.memory_space<vmem>>
      %dma_wait3A_161 = tpu.memref_squeeze %dma_wait3A_160 : memref<1x128xi32, #tpu.memory_space<vmem>> -> memref<128xi32, #tpu.memory_space<vmem>>
      %dma_wait3A_162 = arith.constant 0 : i32
      %dma_wait3A_163 = arith.constant 0 : i32
      %dma_wait3A_164 = tpu.memref_slice %arg3[%dma_wait3A_162, %dma_wait3A_163] : memref<1000000x64xf32, #tpu.memory_space<hbm>> -> memref<1000000x64xf32, #tpu.memory_space<hbm>>
      tpu.wait_indirect_dma semaphore(%arg17 : memref<!tpu.dma_semaphore, #tpu.memory_space<semaphore_mem>>) src(%dma_wait3A_164 : memref<1000000x64xf32, #tpu.memory_space<hbm>>) dst(%arg9 : memref<128x64xf32, #tpu.memory_space<vmem>>)
      %gt3A_165 = arith.constant 0 : i32
      %gt3A_166 = arith.cmpi sgt, %add3A_69, %gt3A_165 : i32
      %convert_element_type3A_167 = arith.extui %gt3A_166 : i1 to i32
      %cond3A_168 = arith.constant 0 : i32
      %cond3A_169 = arith.cmpi ne, %convert_element_type3A_167, %cond3A_168 : i32
      scf.if %cond3A_169 {
        %sub3A = arith.constant 4 : i32
        %sub3A_185 = arith.subi %add3A_158, %sub3A : i32
        %add3A_186 = arith.addi %mul3A_2, %sub3A_185 : i32
        %dma_wait3A_187 = arith.constant 0 : i32
        %dma_wait3A_188 = arith.constant 0 : i32
        %dma_wait3A_189 = tpu.memref_slice %arg4[%add3A_186, %dma_wait3A_187, %dma_wait3A_188] : memref<6400x128x64xf32, #tpu.memory_space<hbm>> -> memref<1x128x64xf32, #tpu.memory_space<hbm>>
        %dma_wait3A_190 = arith.constant 0 : i32
        %dma_wait3A_191 = arith.constant 0 : i32
        %dma_wait3A_192 = tpu.memref_slice %arg4[%add3A_186, %dma_wait3A_190, %dma_wait3A_191] : memref<6400x128x64xf32, #tpu.memory_space<hbm>> -> memref<1x128x64xf32, #tpu.memory_space<hbm>>
        tpu.wait_dma2 semaphore(%arg21 : memref<!tpu.dma_semaphore, #tpu.memory_space<semaphore_mem>>) src(%arg13 : memref<1x128x64xf32, #tpu.memory_space<vmem>>) dst(%dma_wait3A_192 : memref<1x128x64xf32, #tpu.memory_space<hbm>>)
      } else {
      }
      %parallel_loop3A_170 = arith.constant 0 : i32
      %parallel_loop3A_171 = arith.constant 128 : i32
      %parallel_loop3A_172 = arith.constant 1 : i32
      scf.for %parallel_loop3A_185 = %parallel_loop3A_170 to %parallel_loop3A_171 step %parallel_loop3A_172  : i32 {
        %parallel_loop3A_186 = arith.index_cast %parallel_loop3A_185 : i32 to index
        %parallel_loop3A_187 = arith.constant 0 : index
        %parallel_loop3A_188 = tpu.vector_load %arg9[%parallel_loop3A_186, %parallel_loop3A_187] {strides = array<i32>} : memref<128x64xf32, #tpu.memory_space<vmem>>, vector<1x16xf32>,
        %parallel_loop3A_189 = vector.shape_cast %parallel_loop3A_188 : vector<1x16xf32> to vector<16xf32>
        %parallel_loop3A_190 = arith.constant 8.000000e+00 : f32
        %parallel_loop3A_191 = vector.broadcast %parallel_loop3A_190 : f32 to vector<16xf32>
        %parallel_loop3A_192 = arith.mulf %parallel_loop3A_189, %parallel_loop3A_191 : vector<16xf32>
        %parallel_loop3A_193 = arith.constant 0 : i32
        %parallel_loop3A_194 = arith.index_cast %parallel_loop3A_193 : i32 to index
        %parallel_loop3A_195 = arith.index_cast %parallel_loop3A_185 : i32 to index
        %parallel_loop3A_196 = arith.constant 0 : index
        %parallel_loop3A_197 = tpu.vector_load %arg13[%parallel_loop3A_194, %parallel_loop3A_195, %parallel_loop3A_196] {strides = array<i32>} : memref<1x128x64xf32, #tpu.memory_space<vmem>>, vector<1x1x16xf32>,
        %parallel_loop3A_198 = vector.shape_cast %parallel_loop3A_197 : vector<1x1x16xf32> to vector<16xf32>
        %parallel_loop3A_199 = vector.shape_cast %parallel_loop3A_192 : vector<16xf32> to vector<1x1x16xf32>
        tpu.vector_store %arg13[%parallel_loop3A_194, %parallel_loop3A_195, %parallel_loop3A_196], %parallel_loop3A_199 {strides = array<i32>} : memref<1x128x64xf32, #tpu.memory_space<vmem>>, vector<1x1x16xf32>,
        %parallel_loop3A_200 = arith.index_cast %parallel_loop3A_185 : i32 to index
        %parallel_loop3A_201 = arith.constant 16 : index
        %parallel_loop3A_202 = tpu.vector_load %arg9[%parallel_loop3A_200, %parallel_loop3A_201] {strides = array<i32>} : memref<128x64xf32, #tpu.memory_space<vmem>>, vector<1x16xf32>,
        %parallel_loop3A_203 = vector.shape_cast %parallel_loop3A_202 : vector<1x16xf32> to vector<16xf32>
        %parallel_loop3A_204 = arith.constant 8.000000e+00 : f32
        %parallel_loop3A_205 = vector.broadcast %parallel_loop3A_204 : f32 to vector<16xf32>
        %parallel_loop3A_206 = arith.mulf %parallel_loop3A_203, %parallel_loop3A_205 : vector<16xf32>
        %parallel_loop3A_207 = arith.constant 0 : i32
        %parallel_loop3A_208 = arith.index_cast %parallel_loop3A_207 : i32 to index
        %parallel_loop3A_209 = arith.index_cast %parallel_loop3A_185 : i32 to index
        %parallel_loop3A_210 = arith.constant 16 : index
        %parallel_loop3A_211 = tpu.vector_load %arg13[%parallel_loop3A_208, %parallel_loop3A_209, %parallel_loop3A_210] {strides = array<i32>} : memref<1x128x64xf32, #tpu.memory_space<vmem>>, vector<1x1x16xf32>,
        %parallel_loop3A_212 = vector.shape_cast %parallel_loop3A_211 : vector<1x1x16xf32> to vector<16xf32>
        %parallel_loop3A_213 = vector.shape_cast %parallel_loop3A_206 : vector<16xf32> to vector<1x1x16xf32>
        tpu.vector_store %arg13[%parallel_loop3A_208, %parallel_loop3A_209, %parallel_loop3A_210], %parallel_loop3A_213 {strides = array<i32>} : memref<1x128x64xf32, #tpu.memory_space<vmem>>, vector<1x1x16xf32>,
        %parallel_loop3A_214 = arith.index_cast %parallel_loop3A_185 : i32 to index
        %parallel_loop3A_215 = arith.constant 32 : index
        %parallel_loop3A_216 = tpu.vector_load %arg9[%parallel_loop3A_214, %parallel_loop3A_215] {strides = array<i32>} : memref<128x64xf32, #tpu.memory_space<vmem>>, vector<1x16xf32>,
        %parallel_loop3A_217 = vector.shape_cast %parallel_loop3A_216 : vector<1x16xf32> to vector<16xf32>
        %parallel_loop3A_218 = arith.constant 8.000000e+00 : f32
        %parallel_loop3A_219 = vector.broadcast %parallel_loop3A_218 : f32 to vector<16xf32>
        %parallel_loop3A_220 = arith.mulf %parallel_loop3A_217, %parallel_loop3A_219 : vector<16xf32>
        %parallel_loop3A_221 = arith.constant 0 : i32
        %parallel_loop3A_222 = arith.index_cast %parallel_loop3A_221 : i32 to index
        %parallel_loop3A_223 = arith.index_cast %parallel_loop3A_185 : i32 to index
        %parallel_loop3A_224 = arith.constant 32 : index
        %parallel_loop3A_225 = tpu.vector_load %arg13[%parallel_loop3A_222, %parallel_loop3A_223, %parallel_loop3A_224] {strides = array<i32>} : memref<1x128x64xf32, #tpu.memory_space<vmem>>, vector<1x1x16xf32>,
        %parallel_loop3A_226 = vector.shape_cast %parallel_loop3A_225 : vector<1x1x16xf32> to vector<16xf32>
        %parallel_loop3A_227 = vector.shape_cast %parallel_loop3A_220 : vector<16xf32> to vector<1x1x16xf32>
        tpu.vector_store %arg13[%parallel_loop3A_222, %parallel_loop3A_223, %parallel_loop3A_224], %parallel_loop3A_227 {strides = array<i32>} : memref<1x128x64xf32, #tpu.memory_space<vmem>>, vector<1x1x16xf32>,
        %parallel_loop3A_228 = arith.index_cast %parallel_loop3A_185 : i32 to index
        %parallel_loop3A_229 = arith.constant 48 : index
        %parallel_loop3A_230 = tpu.vector_load %arg9[%parallel_loop3A_228, %parallel_loop3A_229] {strides = array<i32>} : memref<128x64xf32, #tpu.memory_space<vmem>>, vector<1x16xf32>,
        %parallel_loop3A_231 = vector.shape_cast %parallel_loop3A_230 : vector<1x16xf32> to vector<16xf32>
        %parallel_loop3A_232 = arith.constant 8.000000e+00 : f32
        %parallel_loop3A_233 = vector.broadcast %parallel_loop3A_232 : f32 to vector<16xf32>
        %parallel_loop3A_234 = arith.mulf %parallel_loop3A_231, %parallel_loop3A_233 : vector<16xf32>
        %parallel_loop3A_235 = arith.constant 0 : i32
        %parallel_loop3A_236 = arith.index_cast %parallel_loop3A_235 : i32 to index
        %parallel_loop3A_237 = arith.index_cast %parallel_loop3A_185 : i32 to index
        %parallel_loop3A_238 = arith.constant 48 : index
        %parallel_loop3A_239 = tpu.vector_load %arg13[%parallel_loop3A_236, %parallel_loop3A_237, %parallel_loop3A_238] {strides = array<i32>} : memref<1x128x64xf32, #tpu.memory_space<vmem>>, vector<1x1x16xf32>,
        %parallel_loop3A_240 = vector.shape_cast %parallel_loop3A_239 : vector<1x1x16xf32> to vector<16xf32>
        %parallel_loop3A_241 = vector.shape_cast %parallel_loop3A_234 : vector<16xf32> to vector<1x1x16xf32>
        tpu.vector_store %arg13[%parallel_loop3A_236, %parallel_loop3A_237, %parallel_loop3A_238], %parallel_loop3A_241 {strides = array<i32>} : memref<1x128x64xf32, #tpu.memory_space<vmem>>, vector<1x1x16xf32>,
      } {sc.loop_unroll_factor = 8 : i64, sc.parallel_access}
      %add3A_173 = arith.addi %mul3A_2, %add3A_158 : i32
      %dma_start3A_174 = arith.constant 0 : i32
      %dma_start3A_175 = arith.constant 0 : i32
      %dma_start3A_176 = tpu.memref_slice %arg4[%add3A_173, %dma_start3A_174, %dma_start3A_175] : memref<6400x128x64xf32, #tpu.memory_space<hbm>> -> memref<1x128x64xf32, #tpu.memory_space<hbm>>
      %dma_start3A_177 = arith.constant 0 : i32
      %dma_start3A_178 = arith.constant 0 : i32
      %dma_start3A_179 = tpu.memref_slice %arg4[%add3A_173, %dma_start3A_177, %dma_start3A_178] : memref<6400x128x64xf32, #tpu.memory_space<hbm>> -> memref<1x128x64xf32, #tpu.memory_space<hbm>>
      tpu.enqueue_dma source(%arg13 : memref<1x128x64xf32, #tpu.memory_space<vmem>>) target(%dma_start3A_179 : memref<1x128x64xf32, #tpu.memory_space<hbm>>) target_semaphore(%arg21 : memref<!tpu.dma_semaphore, #tpu.memory_space<semaphore_mem>>)
      %lt3A_180 = arith.constant 49 : i32
      %lt3A_181 = arith.cmpi slt, %add3A_69, %lt3A_180 : i32
      %convert_element_type3A_182 = arith.extui %lt3A_181 : i1 to i32
      %cond3A_183 = arith.constant 0 : i32
      %cond3A_184 = arith.cmpi ne, %convert_element_type3A_182, %cond3A_183 : i32
      scf.if %cond3A_184 {
        %add3A_185 = arith.constant 4 : i32
        %add3A_186 = arith.addi %add3A_158, %add3A_185 : i32
        %dma_start3A_187 = arith.constant 0 : i32
        %dma_start3A_188 = tpu.memref_slice %arg5[%add3A_186, %dma_start3A_187] : memref<200x128xi32, #tpu.memory_space<vmem>> -> memref<1x128xi32, #tpu.memory_space<vmem>>
        %dma_start3A_189 = tpu.memref_squeeze %dma_start3A_188 : memref<1x128xi32, #tpu.memory_space<vmem>> -> memref<128xi32, #tpu.memory_space<vmem>>
        %dma_start3A_190 = arith.constant 0 : i32
        %dma_start3A_191 = arith.constant 0 : i32
        %dma_start3A_192 = tpu.memref_slice %arg3[%dma_start3A_190, %dma_start3A_191] : memref<1000000x64xf32, #tpu.memory_space<hbm>> -> memref<1000000x64xf32, #tpu.memory_space<hbm>>
        tpu.enqueue_indirect_dma source(%dma_start3A_192 : memref<1000000x64xf32, #tpu.memory_space<hbm>>) target(%arg9 : memref<128x64xf32, #tpu.memory_space<vmem>>) offsets(%dma_start3A_189 : memref<128xi32, #tpu.memory_space<vmem>>) semaphore(%arg17 : memref<!tpu.dma_semaphore, #tpu.memory_space<semaphore_mem>>)
      } else {
      }
    }
    %scan3A_33 = arith.constant 50 : i32
    %add3A_34 = arith.constant 196 : i32
    %add3A_35 = arith.addi %mul3A_2, %add3A_34 : i32
    %dma_wait3A = arith.constant 0 : i32
    %dma_wait3A_36 = arith.constant 0 : i32
    %dma_wait3A_37 = tpu.memref_slice %arg4[%add3A_35, %dma_wait3A, %dma_wait3A_36] : memref<6400x128x64xf32, #tpu.memory_space<hbm>> -> memref<1x128x64xf32, #tpu.memory_space<hbm>>
    %dma_wait3A_38 = arith.constant 0 : i32
    %dma_wait3A_39 = arith.constant 0 : i32
    %dma_wait3A_40 = tpu.memref_slice %arg4[%add3A_35, %dma_wait3A_38, %dma_wait3A_39] : memref<6400x128x64xf32, #tpu.memory_space<hbm>> -> memref<1x128x64xf32, #tpu.memory_space<hbm>>
    tpu.wait_dma2 semaphore(%arg18 : memref<!tpu.dma_semaphore, #tpu.memory_space<semaphore_mem>>) src(%arg10 : memref<1x128x64xf32, #tpu.memory_space<vmem>>) dst(%dma_wait3A_40 : memref<1x128x64xf32, #tpu.memory_space<hbm>>)
    %add3A_41 = arith.constant 197 : i32
    %add3A_42 = arith.addi %mul3A_2, %add3A_41 : i32
    %dma_wait3A_43 = arith.constant 0 : i32
    %dma_wait3A_44 = arith.constant 0 : i32
    %dma_wait3A_45 = tpu.memref_slice %arg4[%add3A_42, %dma_wait3A_43, %dma_wait3A_44] : memref<6400x128x64xf32, #tpu.memory_space<hbm>> -> memref<1x128x64xf32, #tpu.memory_space<hbm>>
    %dma_wait3A_46 = arith.constant 0 : i32
    %dma_wait3A_47 = arith.constant 0 : i32
    %dma_wait3A_48 = tpu.memref_slice %arg4[%add3A_42, %dma_wait3A_46, %dma_wait3A_47] : memref<6400x128x64xf32, #tpu.memory_space<hbm>> -> memref<1x128x64xf32, #tpu.memory_space<hbm>>
    tpu.wait_dma2 semaphore(%arg19 : memref<!tpu.dma_semaphore, #tpu.memory_space<semaphore_mem>>) src(%arg11 : memref<1x128x64xf32, #tpu.memory_space<vmem>>) dst(%dma_wait3A_48 : memref<1x128x64xf32, #tpu.memory_space<hbm>>)
    %add3A_49 = arith.constant 198 : i32
    %add3A_50 = arith.addi %mul3A_2, %add3A_49 : i32
    %dma_wait3A_51 = arith.constant 0 : i32
    %dma_wait3A_52 = arith.constant 0 : i32
    %dma_wait3A_53 = tpu.memref_slice %arg4[%add3A_50, %dma_wait3A_51, %dma_wait3A_52] : memref<6400x128x64xf32, #tpu.memory_space<hbm>> -> memref<1x128x64xf32, #tpu.memory_space<hbm>>
    %dma_wait3A_54 = arith.constant 0 : i32
    %dma_wait3A_55 = arith.constant 0 : i32
    %dma_wait3A_56 = tpu.memref_slice %arg4[%add3A_50, %dma_wait3A_54, %dma_wait3A_55] : memref<6400x128x64xf32, #tpu.memory_space<hbm>> -> memref<1x128x64xf32, #tpu.memory_space<hbm>>
    tpu.wait_dma2 semaphore(%arg20 : memref<!tpu.dma_semaphore, #tpu.memory_space<semaphore_mem>>) src(%arg12 : memref<1x128x64xf32, #tpu.memory_space<vmem>>) dst(%dma_wait3A_56 : memref<1x128x64xf32, #tpu.memory_space<hbm>>)
    %add3A_57 = arith.constant 199 : i32
    %add3A_58 = arith.addi %mul3A_2, %add3A_57 : i32
    %dma_wait3A_59 = arith.constant 0 : i32
    %dma_wait3A_60 = arith.constant 0 : i32
    %dma_wait3A_61 = tpu.memref_slice %arg4[%add3A_58, %dma_wait3A_59, %dma_wait3A_60] : memref<6400x128x64xf32, #tpu.memory_space<hbm>> -> memref<1x128x64xf32, #tpu.memory_space<hbm>>
    %dma_wait3A_62 = arith.constant 0 : i32
    %dma_wait3A_63 = arith.constant 0 : i32
    %dma_wait3A_64 = tpu.memref_slice %arg4[%add3A_58, %dma_wait3A_62, %dma_wait3A_63] : memref<6400x128x64xf32, #tpu.memory_space<hbm>> -> memref<1x128x64xf32, #tpu.memory_space<hbm>>
    tpu.wait_dma2 semaphore(%arg21 : memref<!tpu.dma_semaphore, #tpu.memory_space<semaphore_mem>>) src(%arg13 : memref<1x128x64xf32, #tpu.memory_space<vmem>>) dst(%dma_wait3A_64 : memref<1x128x64xf32, #tpu.memory_space<hbm>>)
    return
  }
}

</mosaic_0001>

<sc_bundles>
// kernel: kernel.3.cloned.1.call-start
scs
__scs_entry_jumppad:
0x0: {  	(pc) =	sbr.rel $0x88, $3  }
0x1: {  	(tag) =	ssettag $0x0;
	lr =	simm.s32 $0x1  }
0x2: {  	[smem:$0x3F9F] =	sst lr;
	_ =	strace $0xD0000000  }
0x3: {  	_ = 	snop  }
0x4: {  	_ = 	snop  }
0x5: {  	_ = 	snop  }
0x6: {  	_ = 	snop  }
0x7: {  	_ = 	snop  }
__scs_overlays_trampoline_lowered:
0x8: {  	[smem:$0x3FAE] =	sst s0  }
0x9: {  	[smem:$0x3FAF] =	sst s1  }
0xa: {  	[smem:$0x3FB0] =	sst s2  }
0xb: {  	[smem:$0x3FB1] =	sst s3  }
0xc: {  	[smem:$0x3FB2] =	sst s4  }
0xd: {  	[smem:$0x3FB3] =	sst s5  }
0xe: {  	[smem:$0x3FB4] =	sst s6  }
0xf: {  	[smem:$0x3FB5] =	sst s7  }
0x10: {  	[smem:$0x3FB6] =	sst s8  }
0x11: {  	[smem:$0x3FB7] =	sst s9;
	s0 =	simm.s32 @!p0 $0x0  }
0x12: {  	s1 =	sld [smem:$0x3F9D];
	s0 =	simm.s32 @p0 $0x1  }
0x13: {  	[smem:$0x3FB8] =	sst s0;
	s0 =	simm.s32 @!p1 $0x0  }
0x14: {  	s2 =	sld [smem:$0x3F9C];
	s0 =	simm.s32 @p1 $0x1  }
0x15: {  	[smem:$0x3FB9] =	sst s0;
	s0 =	simm.s32 @!p2 $0x0  }
0x16: {  	s3 =	sld [smem:$0x3FDB];
	s0 =	simm.s32 @p2 $0x1  }
0x17: {  	s4 =	simm.s32 $0x1BF5;
	[smem:$0x3FBB] =	sst s0  }
0x18: {  	s0 =	sld [smem:$0x3F9E];
	_ =	swait.ge [sflag:s4], $0x0  }
0x19: {  	s7 =	sld [smem:$0x3F9F]  }
0x1a: {  	s8 =	sadd.s32 $0xFFFFE003, lr  }
0x1b: {  	s9 =	sadd.s32 $0xFFFFFEF7, lr;
	s5 =	simm.s32 $0xFFFFFFFF;
	p2 =	slt.u32 s8, $0xFFFFF086  }
0x1c: {  	p1 =	slt.u32 s9, $0xF7A;
	s5 =	simm.s32 @!p2 $0x0  }
0x1d: {  	s5 =	simm.s32 @p1 $0x1;
	p0 =	seq.s32 s7, s2  }
0x1e: {  	s7 =	smul.u32 @!p0 $0xF7A, s2;
	p2 =	seq.s32 @!p0 s5, $0x0  }
0x1f: {  	s9 =	smul.u32 $0xF7A, s1;
	s8 =	simm.s32 @!p0 $0x1BF5;
	p2 =	por !p2, p0  }
0x20: {  	[sflag:s8] =	ssyncset.s32 @!p0 $0xFFFFF086;
	s6 =	sadd.s32 @!p0 s3, s7;
	s7 =	simm.s32 @!p0 $0x108  }
0x21: {  	s3 =	sadd.s32 s3, s9;
	s6 =	sadd.s32 @!p0 $0x88, s6;
	s7 =	simm.s32 @p2 $0x1082  }
0x22: {  	[simem:s7], [sflag:s8] =	dma.local @!p0 [hbm:s6], $0xF7A  }
0x23: {  	s9 =	sor.u32 $0xD0000000, s2;
	s6 =	simm.s32 $0x108;
	_ =	swait.ge @!p0 [sflag:s8], $0x0  }
0x24: {  	s3 =	sadd.s32 $0x88, s3;
	s6 =	simm.s32 @!p1 $0x1082;
	[sflag:s4] =	ssyncset.s32 $0xFFFFF086  }
0x25: {  	[simem:s6], [sflag:s4] =	dma.local [hbm:s3], $0xF7A  }
0x26: {  	[smem:$0x3F9F] =	sst s1;
	(tag) =	ssettag s2;
	_ =	strace s9  }
0x27: {  	s1 =	sld [smem:$0x3FAF]  }
0x28: {  	s2 =	sld [smem:$0x3FB0]  }
0x29: {  	s4 =	sld [smem:$0x3FB2]  }
0x2a: {  	p0 =	seq.s32 s5, $0x0;
	s5 =	sld [smem:$0x3FB3]  }
0x2b: {  	s6 =	sld [smem:$0x3FB4]  }
0x2c: {  	s7 =	sld [smem:$0x3FB5]  }
0x2d: {  	s3 =	simm.s32 $0x108;
	s8 =	sld [smem:$0x3FB6]  }
0x2e: {  	s3 =	simm.s32 @!p0 $0x1082;
	s9 =	sld [smem:$0x3FB7]  }
0x2f: {  	lr =	sadd.s32 s0, s3;
	s0 =	sld [smem:$0x3FAE]  }
0x30: {  	s3 =	sld [smem:$0x3FB1]  }
0x31: {  	[smem:$0x3FBA] =	sst s10  }
0x32: {  	s10 =	sld [smem:$0x3FB8];
	_ =	sdelay $0x3  }
0x33: {  	p0 =	seq.s32 s10, $0x1;
	s10 =	sld [smem:$0x3FBA];
	_ =	sdelay $0x3  }
0x34: {  	[smem:$0x3FBA] =	sst s10  }
0x35: {  	s10 =	sld [smem:$0x3FB9];
	_ =	sdelay $0x3  }
0x36: {  	p1 =	seq.s32 s10, $0x1;
	s10 =	sld [smem:$0x3FBA];
	_ =	sdelay $0x3  }
0x37: {  	[smem:$0x3FBA] =	sst s10  }
0x38: {  	s10 =	sld [smem:$0x3FBB]  }
0x39: {  	_ = 	snop;
	(pc) =	sbr.ind lr, $3  }
0x3a: {  	_ = 	snop  }
0x3b: {  	_ = 	snop  }
0x3c: {  	p2 =	seq.s32 s10, $0x1;
	s10 =	sld [smem:$0x3FBA]  }
0x3d: {  	_ =	shalt  }
0x3e: {  	_ =	shalt  }
0x3f: {  	_ =	shalt  }
0x40: {  	_ =	shalt  }
0x41: {  	_ =	shalt  }
0x42: {  	_ =	shalt  }
0x43: {  	_ =	shalt  }
0x44: {  	_ =	shalt  }
0x45: {  	_ =	shalt  }
0x46: {  	_ =	shalt  }
0x47: {  	_ =	shalt  }
0x48: {  	_ =	shalt  }
0x49: {  	_ =	shalt  }
0x4a: {  	_ =	shalt  }
0x4b: {  	_ =	shalt  }
0x4c: {  	_ =	shalt  }
0x4d: {  	_ =	shalt  }
0x4e: {  	_ =	shalt  }
0x4f: {  	_ =	shalt  }
0x50: {  	_ =	shalt  }
0x51: {  	_ =	shalt  }
0x52: {  	_ =	shalt  }
0x53: {  	_ =	shalt  }
0x54: {  	_ =	shalt  }
0x55: {  	_ =	shalt  }
0x56: {  	_ =	shalt  }
0x57: {  	_ =	shalt  }
0x58: {  	_ =	shalt  }
0x59: {  	_ =	shalt  }
0x5a: {  	_ =	shalt  }
0x5b: {  	_ =	shalt  }
0x5c: {  	_ =	shalt  }
0x5d: {  	_ =	shalt  }
0x5e: {  	_ =	shalt  }
0x5f: {  	_ =	shalt  }
0x60: {  	_ =	shalt  }
0x61: {  	_ =	shalt  }
0x62: {  	_ =	shalt  }
0x63: {  	_ =	shalt  }
0x64: {  	_ =	shalt  }
0x65: {  	_ =	shalt  }
0x66: {  	_ =	shalt  }
0x67: {  	_ =	shalt  }
0x68: {  	_ =	shalt  }
0x69: {  	_ =	shalt  }
0x6a: {  	_ =	shalt  }
0x6b: {  	_ =	shalt  }
0x6c: {  	_ =	shalt  }
0x6d: {  	_ =	shalt  }
0x6e: {  	_ =	shalt  }
0x6f: {  	_ =	shalt  }
0x70: {  	_ =	shalt  }
0x71: {  	_ =	shalt  }
0x72: {  	_ =	shalt  }
0x73: {  	_ =	shalt  }
0x74: {  	_ =	shalt  }
0x75: {  	_ =	shalt  }
0x76: {  	_ =	shalt  }
0x77: {  	_ =	shalt  }
0x78: {  	_ =	shalt  }
0x79: {  	_ =	shalt  }
0x7a: {  	_ =	shalt  }
0x7b: {  	_ =	shalt  }
0x7c: {  	_ =	shalt  }
0x7d: {  	_ =	shalt  }
0x7e: {  	_ =	shalt  }
0x7f: {  	_ =	shalt  }
0x80: {  	_ =	shalt  }
0x81: {  	_ =	shalt  }
0x82: {  	_ =	shalt  }
0x83: {  	_ =	shalt  }
0x84: {  	_ =	shalt  }
0x85: {  	_ =	shalt  }
0x86: {  	_ =	shalt  }
0x87: {  	_ =	shalt  }
.Lfunc_end0:
.L_simem_size_0:
called_computation.1_lowered:
.L_overlay_start_0:
0x88: {  	s2 =	sld [smem:$0x3FD9]  }
0x89: {  	s3 =	sld [smem:$0x3FFE];
	_ =	sdelay $0x1  }
0x8a: {  	s1 =	srdreg.scid  }
0x8b: {  	s0 =	sand.u32 $0x1, s1  }
0x8c: {  	s17 =	sshll.u32 s0, $0xA;
	s2 =	sadd.s32 s3, s2  }
0x8d: {  	s2 =	sadd.s32 s2, s17  }
0x8e: {  	[smem:$0x3FC6] =	sst s2  }
0x8f: {  	_ = 	snop  }
0x90: {  	s2 =	sld [smem:$0x3FD0];
	(tm) =	ssettm $0x1  }
0x91: {  	s18 =	sld [smem:$0x3FFB];
	_ =	sdelay $0x3  }
0x92: {  	_ =	strace s18  }
0x93: {  	s3 =	sld [smem:$0x3FFC];
	_ =	sdelay $0x3  }
0x94: {  	_ =	strace s3  }
0x95: {  	s3 =	sld [smem:$0x3FFD];
	_ =	sdelay $0x3  }
0x96: {  	_ =	strace s3  }
0x97: {  	_ =	strace $0x8FFFFFFF  }
0x98: {  	s19 =	sld [smem:$0x3FDB];
	_ =	sdelay $0x1  }
0x99: {  	s4 =	simm.s32 $_scs_section_size  }
0x9a: {  	s5 =	simm.s32 $_size__tile_overlayer_lowered;
	s6 =	simm.s32 $_tile_overlayer_lowered  }
0x9b: {  	s22 =	simm.s32 $0x1BFF;
	s21 =	sshll.u32 s6, $0x1;
	s3 =	sadd.s32 s4, s19  }
0x9c: {  	s7 =	simm.s32 $0x0;
	s20 =	sshll.u32 s5, $0x1;
	s5 =	sadd.s32 s21, s3  }
0x9d: {  	[timem:s7], [sflag:s22] =	dma.local [hbm:s5], s20  }
0x9e: {  	_ =	swait.ge [sflag:s22], s20  }
0x9f: {  	s4 =	ssub.s32 $0x0, s20;
	[sflag:s22] =	ssyncset.done $0x0  }
0xa0: {  	[sflag:s22] =	ssyncadd.s32 s4;
	_ =	sdelay $0x1  }
0xa1: {  	s23 =	simm.s32 $0x1B8B  }
0xa2: {  	_ =	swait.ge [sflag:s23], $0x1  }
0xa3: {  	[sflag:s23] =	ssyncset.done $0x0  }
0xa4: {  	s25 =	simm.s32 $0x1B8E;
	s24 =	sld [smem:$0x3FFE];
	[sflag:s23] =	ssyncadd.s32 $0xFFFFFFFF  }
0xa5: {  	s26 =	simm.s32 $execute0_lowered;
	[smem:$0x3FD2] =	sst s25  }
0xa6: {  	s5 =	sshll.u32 s26, $0x1;
	_ =	strace $0x80000046;
	[dreg:$0x1] =	wrdreg $0xFFFFFFFF  }
0xa7: {  	s28 =	simm.s32 $_size_execute0_lowered;
	s3 =	sadd.s32 s3, s5;
	[dreg:$0x0] =	wrdreg $0x0  }
0xa8: {  	s5 =	sshll.u32 s28, $0x1;
	[dreg:$0x2] =	wrdreg s3  }
0xa9: {  	[dreg:$0x3] =	wrdreg s5  }
0xaa: {  	[dreg:$0x4] =	wrdreg $0xC0  }
0xab: {  	_ =	task [dreg:s7], $0x5FFFF  }
0xac: {  	[dreg:$0x1] =	wrdreg $0xFFFFFFFF  }
0xad: {  	[dreg:$0x0] =	wrdreg $0x60  }
0xae: {  	[dreg:$0x2] =	wrdreg s24  }
0xaf: {  	[dreg:$0x3] =	wrdreg s2  }
0xb0: {  	[dreg:$0x4] =	wrdreg $0x9  }
0xb1: {  	_ =	task.clear_ibuf [dreg:s7], $0x5FFFF;
	_ =	strace $0x90000046  }
0xb2: {  	s29 =	simm.s32 $0x9;
	_ =	strace $0x80000048  }
0xb3: {  	_ =	swait.ge [sflag:s29], $0x1  }
0xb4: {  	[sflag:s29] =	ssyncadd.s32 $0xFFFFFFFF  }
0xb5: {  	_ =	strace $0x90000048  }
0xb6: {  	_ =	sfence  }
0xb7: {  	s30 =	sld [smem:$0x0];
	_ =	sdelay $0x2  }
0xb8: {  	s31 =	sshll.u32 s1, $0xD;
	s1 =	sshrl.u32 s1, $0x2  }
0xb9: {  	s3 =	sand.u32 $0x4000, s31;
	s1 =	sadd.s32 s1, s30  }
0xba: {  	s0 =	sor.u32 s3, s0;
	s1 =	sshll.u32 s1, $0x11  }
0xbb: {  	s0 =	sor.u32 s1, s0  }
0xbc: {  	s0 =	sadd.s32 $0x8F2B, s0  }
0xbd: {  	[sflag:s0] =	ssyncadd.remote.s32 $0x1  }
0xbe: {  	_ =	sfence.sel $0xFFFF  }
0xbf: {  	[dreg:$0x0] =	wrdreg $0xFFFFFFFF;
	(pc) =	sbr.abs _section_cstart, $3  }
0xc0: {  	[dreg:$0x1] =	wrdreg $0xFFFFFFFF  }
0xc1: {  	_ =	task.clear_ibuf [dreg:s7], $0x2FFFF;
	_ =	strace $0x9FFFFFFF  }
0xc2: {  	(tm) =	ssettm $0x7FFFFFFF  }
0xc3: {  	_ =	shalt  }
tec
execute0_lowered:
.L_overlay_start_1:
0x0: {  	(tag) =	ssettag $0x1  }
0x1: {  	s0 =	rddreg [dreg:$0x0];
	s1 =	srdreg.scid  }
0x2: {  	s3 =	stileid.u32;
	s2 =	rddreg [dreg:$0x1];
	s11 =	simm.s32 $0x9  }
0x3: {  	s12 =	simm.s32 $0x80;
	s13 =	simm.s32 $0x6400;
	s14 =	simm.s32 $0x8400  }
0x4: {  	s16 =	simm.s32 $0xA400;
	s18 =	simm.s32 $0xC400;
	s19 =	simm.s32 $0x1  }
0x5: {  	s20 =	simm.s32 $0xE400;
	s21 =	simm.s32 $0x2;
	s22 =	simm.s32 $0x6  }
0x6: {  	s23 =	simm.s32 $0x10400;
	s24 =	simm.s32 $0x3;
	s28 =	simm.s32 $0x4  }
0x7: {  	s29 =	simm.s32 $0x8;
	s1 =	sand.u32 $0x1, s1;
	s4 =	sshll.u32 s3, $0x1  }
0x8: {  	s30 =	simm.s32 $0x14400;
	s3 =	simm.s32 $0x0;
	s4 =	sor.u32 s1, s4  }
0x9: {  	s31 =	simm.s32 $0x5;
	[smem:$0x7FF] =	sst s3;
	s5 =	smul.u32 $0xC80, s4  }
0xa: {  	s1 =	ssub.s32 $0x2, s1;
	_ =	strace $0x80000047;
	s4 =	smul.u32 $0xC8, s4  }
.Ltmp0:
0xb: {  	s25 =	sshrl.u32 s1, $0x1;
	s6 =	sadd.s32 s5, s0;
	(pc) =	sbr.rel .LBB2_1-.Ltmp0, $4  }
0xc: {  	s5 =	sadd.s32 $0xF42E00, s0;
	s0 =	ssub.s32 s1, s25;
	s7 =	sor.u32 $0x1, s4  }
0xd: {  	s8 =	sor.u32 $0x2, s4;
	s9 =	sor.u32 $0x3, s4;
	s26 =	sadd.s32 $0xA00, s6  }
0xe: {  	s25 =	simm.s32 $0x7;
	s0 =	smax.u32 s0, $0x1;
	[dreg:$0x3] =	wrdreg s26  }
0xf: {  	s1 =	simm.s32 $0x0;
	[dreg:$0x4] =	wrdreg s0;
	s26 =	simm.s32 $0x12400  }
.LBB2_24:
0x10: {  	_ =	swait.ge [sflag:s31], $0x2000  }
0x11: {  	[sflag:s31] =	ssyncset.done $0x0  }
0x12: {  	[sflag:s31] =	ssyncadd.s32 $0xFFFFE000  }
0x13: {  	_ =	swait.ge [sflag:s22], $0x2000  }
0x14: {  	[sflag:s22] =	ssyncset.done $0x0  }
0x15: {  	[sflag:s22] =	ssyncadd.s32 $0xFFFFE000  }
0x16: {  	_ =	swait.ge [sflag:s25], $0x2000  }
0x17: {  	[sflag:s25] =	ssyncset.done $0x0  }
0x18: {  	[sflag:s25] =	ssyncadd.s32 $0xFFFFE000  }
0x19: {  	_ =	swait.ge [sflag:s29], $0x2000  }
0x1a: {  	s1 =	sadd.s32 $0x1, s1;
	s0 =	rddreg [dreg:$0x4]  }
0x1b: {  	p0 =	sne.s32 s1, s0  }
.Ltmp1:
0x1c: {  	_ = 	snop;
	(pc) =	sbr.rel @!p0 .LBB2_25-.Ltmp1, $3  }
0x1d: {  	_ =	sdelay $0x1  }
0x1e: {  	[sflag:s29] =	ssyncset.done $0x0  }
0x1f: {  	[sflag:s29] =	ssyncadd.s32 $0xFFFFE000  }
.LBB2_1:
0x20: {  	s0 =	rddreg [dreg:$0x3]  }
0x21: {  	[tilespmem:s3], [sflag:$0x9] =	stream.linear.gather [hbm4b:s0+s3], $0x6400, $0x38;
	[tilespmem:$0x16400] =	vst v63  }
0x22: {  	_ =	swait.ge [sflag:s11], $0x6400  }
0x23: {  	[sflag:s11] =	ssyncset.done $0x0  }
0x24: {  	[sflag:s11] =	ssyncadd.s32 $0xFFFF9C00  }
0x25: {  	[tilespmem:s13], [sflag:$0x1] =	stream.indirect.gather [hbm4b:s5+s12], $0x40, s3, s12, $0xb8;
	[tilespmem:$0x16400] =	vst v63  }
0x26: {  	_ = 	snop  }
0x27: {  	[tilespmem:s14], [sflag:$0x2] =	stream.indirect.gather [hbm4b:s5+s12], $0x40, s12, s12, $0xb8;
	[tilespmem:$0x16400] =	vst v63  }
0x28: {  	s15 =	simm.s32 $0x100  }
0x29: {  	[tilespmem:s16], [sflag:$0x3] =	stream.indirect.gather [hbm4b:s5+s12], $0x40, s15, s12, $0xb8;
	[tilespmem:$0x16400] =	vst v63  }
0x2a: {  	s17 =	simm.s32 $0x180;
	s0 =	simm.s32 $0x0  }
0x2b: {  	[tilespmem:s18], [sflag:$0x4] =	stream.indirect.gather [hbm4b:s5+s12], $0x40, s17, s12, $0xb8;
	[tilespmem:$0x16400] =	vst v63  }
.LBB2_2:
0x2c: {  	_ =	swait.ge [sflag:s19], $0x2000  }
0x2d: {  	p0 =	seq.s32 s0, $0x0;
	[sflag:s19] =	ssyncset.done $0x0  }
0x2e: {  	s6 =	simm.s32 @!p0 $0x5;
	[sflag:s19] =	ssyncadd.s32 $0xFFFFE000  }
0x2f: {  	_ =	swait.ge @!p0 [sflag:s6], $0x2000  }
0x30: {  	[sflag:s6] =	ssyncset.done @!p0 $0x0  }
0x31: {  	s10 =	simm.s32 $0x6500;
	[sflag:s6] =	ssyncadd.s32 @!p0 $0xFFFFE000  }
0x32: {  	v0 =	vld [tilespmem:s10+$0xC0]  }
0x33: {  	v1 =	vld [tilespmem:s10+$0xFFFFFF40]  }
0x34: {  	v2 =	vld [tilespmem:s10+$0xFFFFFF80]  }
0x35: {  	v3 =	vld [tilespmem:s10+$0xFFFFFFC0]  }
0x36: {  	v4 =	vld [tilespmem:s10+$0x0]  }
0x37: {  	v5 =	vld [tilespmem:s10+$0x40];
	v0 =	vmul.f32 $8.000000000e+00, v0  }
0x38: {  	s17 =	simm.s32 $0xE500;
	v6 =	vld [tilespmem:s10+$0x80];
	v1 =	vmul.f32 $8.000000000e+00, v1  }
0x39: {  	v7 =	vld [tilespmem:s10+$0xFFFFFF00];
	v2 =	vmul.f32 $8.000000000e+00, v2;
	[tilespmem:s17+$0xC0] =	vst v0  }
0x3a: {  	[tilespmem:s17+$0xFFFFFF40] =	vst v1;
	v0 =	vmul.f32 $8.000000000e+00, v3;
	v1 =	vld [tilespmem:s10+$0xD0]  }
0x3b: {  	[tilespmem:s17+$0xFFFFFF80] =	vst v2;
	v2 =	vmul.f32 $8.000000000e+00, v4;
	v3 =	vld [tilespmem:s10+$0xFFFFFF50]  }
0x3c: {  	v4 =	vld [tilespmem:s10+$0xFFFFFF90];
	[tilespmem:s17+$0xFFFFFFC0] =	vst v0;
	v0 =	vmul.f32 $8.000000000e+00, v5  }
0x3d: {  	[tilespmem:s17+$0x0] =	vst v2;
	v2 =	vmul.f32 $8.000000000e+00, v6;
	v5 =	vld [tilespmem:s10+$0xFFFFFFD0]  }
0x3e: {  	v6 =	vmul.f32 $8.000000000e+00, v7;
	v7 =	vld [tilespmem:s10+$0x10];
	[tilespmem:s17+$0x40] =	vst v0  }
0x3f: {  	[tilespmem:s17+$0x80] =	vst v2;
	v0 =	vld [tilespmem:s10+$0x50];
	v1 =	vmul.f32 $8.000000000e+00, v1  }
0x40: {  	[tilespmem:s17+$0xFFFFFF00] =	vst v6;
	v2 =	vmul.f32 $8.000000000e+00, v3;
	v3 =	vld [tilespmem:s10+$0x90]  }
0x41: {  	v6 =	vld [tilespmem:s10+$0xFFFFFF10];
	v4 =	vmul.f32 $8.000000000e+00, v4;
	[tilespmem:s17+$0xD0] =	vst v1  }
0x42: {  	[tilespmem:s17+$0xFFFFFF50] =	vst v2;
	v1 =	vmul.f32 $8.000000000e+00, v5;
	v2 =	vld [tilespmem:s10+$0xE0]  }
0x43: {  	[tilespmem:s17+$0xFFFFFF90] =	vst v4;
	v4 =	vmul.f32 $8.000000000e+00, v7;
	v5 =	vld [tilespmem:s10+$0xFFFFFF60]  }
0x44: {  	v7 =	vld [tilespmem:s10+$0xFFFFFFA0];
	[tilespmem:s17+$0xFFFFFFD0] =	vst v1;
	v0 =	vmul.f32 $8.000000000e+00, v0  }
0x45: {  	[tilespmem:s17+$0x10] =	vst v4;
	v1 =	vld [tilespmem:s10+$0xFFFFFFE0];
	v3 =	vmul.f32 $8.000000000e+00, v3  }
0x46: {  	v4 =	vmul.f32 $8.000000000e+00, v6;
	v6 =	vld [tilespmem:s10+$0x20];
	[tilespmem:s17+$0x50] =	vst v0  }
0x47: {  	v0 =	vld [tilespmem:s10+$0x60];
	[tilespmem:s17+$0x90] =	vst v3;
	v2 =	vmul.f32 $8.000000000e+00, v2  }
0x48: {  	[tilespmem:s17+$0xFFFFFF10] =	vst v4;
	v3 =	vmul.f32 $8.000000000e+00, v5;
	v4 =	vld [tilespmem:s10+$0xA0]  }
0x49: {  	v5 =	vld [tilespmem:s10+$0xFFFFFF20];
	v7 =	vmul.f32 $8.000000000e+00, v7;
	[tilespmem:s17+$0xE0] =	vst v2  }
0x4a: {  	[tilespmem:s17+$0xFFFFFF60] =	vst v3;
	v1 =	vmul.f32 $8.000000000e+00, v1;
	v3 =	vld [tilespmem:s10+$0xF0]  }
0x4b: {  	[tilespmem:s17+$0xFFFFFFA0] =	vst v7;
	v2 =	vmul.f32 $8.000000000e+00, v6;
	v8 =	vld [tilespmem:s10+$0xFFFFFF70]  }
0x4c: {  	v7 =	vld [tilespmem:s10+$0xFFFFFFB0];
	[tilespmem:s17+$0xFFFFFFE0] =	vst v1;
	v1 =	vmul.f32 $8.000000000e+00, v0  }
0x4d: {  	[tilespmem:s17+$0x20] =	vst v2;
	v0 =	vld [tilespmem:s10+$0xFFFFFFF0];
	v4 =	vmul.f32 $8.000000000e+00, v4  }
0x4e: {  	v5 =	vmul.f32 $8.000000000e+00, v5;
	v2 =	vld [tilespmem:s10+$0x30];
	[tilespmem:s17+$0x60] =	vst v1  }
0x4f: {  	v1 =	vld [tilespmem:s10+$0x70];
	[tilespmem:s17+$0xA0] =	vst v4;
	v9 =	vmul.f32 $8.000000000e+00, v3  }
0x50: {  	[tilespmem:s17+$0xFFFFFF20] =	vst v5;
	v3 =	vld [tilespmem:s10+$0xB0];
	v6 =	vmul.f32 $8.000000000e+00, v8  }
0x51: {  	s15 =	sshll.u32 s0, $0x2;
	s6 =	simm.s32 $0x0;
	v4 =	vld [tilespmem:s10+$0xFFFFFF30];
	v5 =	vmul.f32 $8.000000000e+00, v7;
	s10 =	simm.s32 $0x6700;
	[tilespmem:s17+$0xF0] =	vst v9  }
.LBB2_3:
0x52: {  	v7 =	vld [tilespmem:s10+$0xC0];
	s6 =	sadd.s32 $0x8, s6;
	[tilespmem:s17+$0xFFFFFF70] =	vst v6;
	v0 =	vmul.f32 $8.000000000e+00, v0  }
0x53: {  	v6 =	vld [tilespmem:s10+$0xFFFFFF40];
	p1 =	slt.u32 s6, $0x78;
	[tilespmem:s17+$0xFFFFFFB0] =	vst v5;
	v2 =	vmul.f32 $8.000000000e+00, v2  }
0x54: {  	v5 =	vld [tilespmem:s10+$0xFFFFFF80];
	[tilespmem:s17+$0xFFFFFFF0] =	vst v0;
	v0 =	vmul.f32 $8.000000000e+00, v1  }
0x55: {  	v1 =	vld [tilespmem:s10+$0xFFFFFFC0];
	[tilespmem:s17+$0x30] =	vst v2;
	v2 =	vmul.f32 $8.000000000e+00, v3  }
0x56: {  	v3 =	vld [tilespmem:s10+$0x0];
	v4 =	vmul.f32 $8.000000000e+00, v4;
	[tilespmem:s17+$0x70] =	vst v0  }
0x57: {  	v0 =	vld [tilespmem:s10+$0x40];
	v7 =	vmul.f32 $8.000000000e+00, v7;
	[tilespmem:s17+$0xB0] =	vst v2  }
0x58: {  	v2 =	vmul.f32 $8.000000000e+00, v6;
	v6 =	vld [tilespmem:s10+$0x80];
	[tilespmem:s17+$0xFFFFFF30] =	vst v4;
	s17 =	sadd.s32 $0x200, s17  }
0x59: {  	v4 =	vld [tilespmem:s10+$0xFFFFFF00];
	v5 =	vmul.f32 $8.000000000e+00, v5;
	[tilespmem:s17+$0xC0] =	vst v7  }
0x5a: {  	[tilespmem:s17+$0xFFFFFF40] =	vst v2;
	v1 =	vmul.f32 $8.000000000e+00, v1;
	v2 =	vld [tilespmem:s10+$0xD0]  }
0x5b: {  	v7 =	vld [tilespmem:s10+$0xFFFFFF50];
	[tilespmem:s17+$0xFFFFFF80] =	vst v5;
	v3 =	vmul.f32 $8.000000000e+00, v3  }
0x5c: {  	v5 =	vld [tilespmem:s10+$0xFFFFFF90];
	[tilespmem:s17+$0xFFFFFFC0] =	vst v1;
	v0 =	vmul.f32 $8.000000000e+00, v0  }
0x5d: {  	v1 =	vld [tilespmem:s10+$0xFFFFFFD0];
	[tilespmem:s17+$0x0] =	vst v3;
	v3 =	vmul.f32 $8.000000000e+00, v6  }
0x5e: {  	v4 =	vmul.f32 $8.000000000e+00, v4;
	v6 =	vld [tilespmem:s10+$0x10];
	[tilespmem:s17+$0x40] =	vst v0  }
0x5f: {  	v0 =	vld [tilespmem:s10+$0x50];
	[tilespmem:s17+$0x80] =	vst v3;
	v2 =	vmul.f32 $8.000000000e+00, v2  }
0x60: {  	[tilespmem:s17+$0xFFFFFF00] =	vst v4;
	v3 =	vmul.f32 $8.000000000e+00, v7;
	v4 =	vld [tilespmem:s10+$0x90]  }
0x61: {  	v7 =	vld [tilespmem:s10+$0xFFFFFF10];
	v5 =	vmul.f32 $8.000000000e+00, v5;
	[tilespmem:s17+$0xD0] =	vst v2  }
0x62: {  	[tilespmem:s17+$0xFFFFFF50] =	vst v3;
	v1 =	vmul.f32 $8.000000000e+00, v1;
	v2 =	vld [tilespmem:s10+$0xE0]  }
0x63: {  	v3 =	vld [tilespmem:s10+$0xFFFFFF60];
	[tilespmem:s17+$0xFFFFFF90] =	vst v5;
	v5 =	vmul.f32 $8.000000000e+00, v6  }
0x64: {  	v6 =	vld [tilespmem:s10+$0xFFFFFFA0];
	[tilespmem:s17+$0xFFFFFFD0] =	vst v1;
	v0 =	vmul.f32 $8.000000000e+00, v0  }
0x65: {  	v1 =	vld [tilespmem:s10+$0xFFFFFFE0];
	[tilespmem:s17+$0x10] =	vst v5;
	v4 =	vmul.f32 $8.000000000e+00, v4  }
0x66: {  	v5 =	vmul.f32 $8.000000000e+00, v7;
	v7 =	vld [tilespmem:s10+$0x20];
	[tilespmem:s17+$0x50] =	vst v0  }
0x67: {  	v0 =	vld [tilespmem:s10+$0x60];
	[tilespmem:s17+$0x90] =	vst v4;
	v2 =	vmul.f32 $8.000000000e+00, v2  }
0x68: {  	[tilespmem:s17+$0xFFFFFF10] =	vst v5;
	v3 =	vmul.f32 $8.000000000e+00, v3;
	v4 =	vld [tilespmem:s10+$0xA0]  }
0x69: {  	v5 =	vld [tilespmem:s10+$0xFFFFFF20];
	v6 =	vmul.f32 $8.000000000e+00, v6;
	[tilespmem:s17+$0xE0] =	vst v2  }
0x6a: {  	[tilespmem:s17+$0xFFFFFF60] =	vst v3;
	v1 =	vmul.f32 $8.000000000e+00, v1;
	v3 =	vld [tilespmem:s10+$0xF0]  }
0x6b: {  	v8 =	vld [tilespmem:s10+$0xFFFFFF70];
	[tilespmem:s17+$0xFFFFFFA0] =	vst v6;
	v2 =	vmul.f32 $8.000000000e+00, v7  }
0x6c: {  	v7 =	vld [tilespmem:s10+$0xFFFFFFB0];
	[tilespmem:s17+$0xFFFFFFE0] =	vst v1;
	v1 =	vmul.f32 $8.000000000e+00, v0  }
.Ltmp2:
0x6d: {  	v0 =	vld [tilespmem:s10+$0xFFFFFFF0];
	[tilespmem:s17+$0x20] =	vst v2;
	v4 =	vmul.f32 $8.000000000e+00, v4;
	(pc) =	sbr.rel @p1 .LBB2_3-.Ltmp2, $4  }
0x6e: {  	v5 =	vmul.f32 $8.000000000e+00, v5;
	v2 =	vld [tilespmem:s10+$0x30];
	[tilespmem:s17+$0x60] =	vst v1  }
0x6f: {  	v1 =	vld [tilespmem:s10+$0x70];
	[tilespmem:s17+$0xA0] =	vst v4;
	v9 =	vmul.f32 $8.000000000e+00, v3  }
0x70: {  	[tilespmem:s17+$0xFFFFFF20] =	vst v5;
	v6 =	vmul.f32 $8.000000000e+00, v8;
	v3 =	vld [tilespmem:s10+$0xB0]  }
0x71: {  	v4 =	vld [tilespmem:s10+$0xFFFFFF30];
	v5 =	vmul.f32 $8.000000000e+00, v7;
	[tilespmem:s17+$0xF0] =	vst v9;
	s10 =	sadd.s32 $0x200, s10  }
0x72: {  	[tilespmem:s17+$0xFFFFFF70] =	vst v6;
	v0 =	vmul.f32 $8.000000000e+00, v0  }
0x73: {  	[tilespmem:s17+$0xFFFFFFB0] =	vst v5;
	v2 =	vmul.f32 $8.000000000e+00, v2  }
0x74: {  	p1 =	sne.s32 s0, $0x31;
	[tilespmem:s17+$0xFFFFFFF0] =	vst v0;
	v61 =	vmul.f32 $8.000000000e+00, v1  }
.Ltmp3:
0x75: {  	[tilespmem:s17+$0x30] =	vst v2;
	v62 =	vmul.f32 $8.000000000e+00, v3;
	(pc) =	sbr.rel @p1 .LBB2_6-.Ltmp3, $4  }
0x76: {  	s6 =	sadd.s32 s4, s15;
	v63 =	vmul.f32 $8.000000000e+00, v4;
	[tilespmem:s17+$0x70] =	vst v61  }
0x77: {  	s6 =	sshll.u32 s6, $0xA;
	[tilespmem:s17+$0xB0] =	vst v62  }
0x78: {  	s6 =	sadd.s32 s2, s6;
	[tilespmem:s17+$0xFFFFFF30] =	vst v63  }
0x79: {  	[hbm4b:s6+s3] =	stream.linear.scatter [tilespmem:s20], [sflag:$0x5], $0x2000, $0x38;
	[tilespmem:$0x16400] =	vst v63  }
.Ltmp4:
0x7a: {  	(pc) =	sbr.rel .LBB2_7-.Ltmp4, $4  }
0x7b: {  	_ = 	snop  }
0x7c: {  	_ =	swait.ge [sflag:s21], $0x2000  }
0x7d: {  	[sflag:s21] =	ssyncset.done $0x0  }
0x7e: {  	[sflag:s21] =	ssyncadd.s32 $0xFFFFE000  }
.LBB2_6:
0x7f: {  	s6 =	sshll.u32 s0, $0x9  }
0x80: {  	s6 =	sand.u32 $0x3FFFFE00, s6  }
.Ltmp5:
0x81: {  	s6 =	sadd.s32 $0x200, s6;
	(pc) =	sbr.rel @p0 .LBB2_8-.Ltmp5, $4  }
0x82: {  	[tilespmem:s13], [sflag:$0x1] =	stream.indirect.gather [hbm4b:s5+s12], $0x40, s6, s12, $0xb8;
	[tilespmem:$0x16400] =	vst v63  }
0x83: {  	_ =	swait.ge [sflag:s21], $0x2000  }
0x84: {  	[sflag:s21] =	ssyncset.done $0x0  }
0x85: {  	[sflag:s21] =	ssyncadd.s32 $0xFFFFE000  }
.LBB2_7:
0x86: {  	_ =	swait.ge [sflag:s22], $0x2000  }
0x87: {  	[sflag:s22] =	ssyncset.done $0x0  }
0x88: {  	[sflag:s22] =	ssyncadd.s32 $0xFFFFE000  }
.LBB2_8:
0x89: {  	s10 =	simm.s32 $0x8500  }
0x8a: {  	v0 =	vld [tilespmem:s10+$0xC0]  }
0x8b: {  	v1 =	vld [tilespmem:s10+$0xFFFFFF40]  }
0x8c: {  	v2 =	vld [tilespmem:s10+$0xFFFFFF80]  }
0x8d: {  	v3 =	vld [tilespmem:s10+$0xFFFFFFC0]  }
0x8e: {  	v4 =	vld [tilespmem:s10+$0x0]  }
0x8f: {  	v5 =	vld [tilespmem:s10+$0x40];
	v0 =	vmul.f32 $8.000000000e+00, v0  }
0x90: {  	s17 =	simm.s32 $0x10500;
	v6 =	vld [tilespmem:s10+$0x80];
	v1 =	vmul.f32 $8.000000000e+00, v1  }
0x91: {  	v7 =	vld [tilespmem:s10+$0xFFFFFF00];
	v2 =	vmul.f32 $8.000000000e+00, v2;
	[tilespmem:s17+$0xC0] =	vst v0  }
0x92: {  	[tilespmem:s17+$0xFFFFFF40] =	vst v1;
	v0 =	vmul.f32 $8.000000000e+00, v3;
	v1 =	vld [tilespmem:s10+$0xD0]  }
0x93: {  	[tilespmem:s17+$0xFFFFFF80] =	vst v2;
	v2 =	vmul.f32 $8.000000000e+00, v4;
	v3 =	vld [tilespmem:s10+$0xFFFFFF50]  }
0x94: {  	v4 =	vld [tilespmem:s10+$0xFFFFFF90];
	[tilespmem:s17+$0xFFFFFFC0] =	vst v0;
	v0 =	vmul.f32 $8.000000000e+00, v5  }
0x95: {  	[tilespmem:s17+$0x0] =	vst v2;
	v2 =	vmul.f32 $8.000000000e+00, v6;
	v5 =	vld [tilespmem:s10+$0xFFFFFFD0]  }
0x96: {  	v6 =	vmul.f32 $8.000000000e+00, v7;
	v7 =	vld [tilespmem:s10+$0x10];
	[tilespmem:s17+$0x40] =	vst v0  }
0x97: {  	[tilespmem:s17+$0x80] =	vst v2;
	v0 =	vld [tilespmem:s10+$0x50];
	v1 =	vmul.f32 $8.000000000e+00, v1  }
0x98: {  	[tilespmem:s17+$0xFFFFFF00] =	vst v6;
	v2 =	vmul.f32 $8.000000000e+00, v3;
	v3 =	vld [tilespmem:s10+$0x90]  }
0x99: {  	v6 =	vld [tilespmem:s10+$0xFFFFFF10];
	v4 =	vmul.f32 $8.000000000e+00, v4;
	[tilespmem:s17+$0xD0] =	vst v1  }
0x9a: {  	[tilespmem:s17+$0xFFFFFF50] =	vst v2;
	v1 =	vmul.f32 $8.000000000e+00, v5;
	v2 =	vld [tilespmem:s10+$0xE0]  }
0x9b: {  	[tilespmem:s17+$0xFFFFFF90] =	vst v4;
	v4 =	vmul.f32 $8.000000000e+00, v7;
	v5 =	vld [tilespmem:s10+$0xFFFFFF60]  }
0x9c: {  	v7 =	vld [tilespmem:s10+$0xFFFFFFA0];
	[tilespmem:s17+$0xFFFFFFD0] =	vst v1;
	v0 =	vmul.f32 $8.000000000e+00, v0  }
0x9d: {  	[tilespmem:s17+$0x10] =	vst v4;
	v1 =	vld [tilespmem:s10+$0xFFFFFFE0];
	v3 =	vmul.f32 $8.000000000e+00, v3  }
0x9e: {  	v4 =	vmul.f32 $8.000000000e+00, v6;
	v6 =	vld [tilespmem:s10+$0x20];
	[tilespmem:s17+$0x50] =	vst v0  }
0x9f: {  	v0 =	vld [tilespmem:s10+$0x60];
	[tilespmem:s17+$0x90] =	vst v3;
	v2 =	vmul.f32 $8.000000000e+00, v2  }
0xa0: {  	[tilespmem:s17+$0xFFFFFF10] =	vst v4;
	v3 =	vmul.f32 $8.000000000e+00, v5;
	v4 =	vld [tilespmem:s10+$0xA0]  }
0xa1: {  	v5 =	vld [tilespmem:s10+$0xFFFFFF20];
	v7 =	vmul.f32 $8.000000000e+00, v7;
	[tilespmem:s17+$0xE0] =	vst v2  }
0xa2: {  	[tilespmem:s17+$0xFFFFFF60] =	vst v3;
	v1 =	vmul.f32 $8.000000000e+00, v1;
	v3 =	vld [tilespmem:s10+$0xF0]  }
0xa3: {  	[tilespmem:s17+$0xFFFFFFA0] =	vst v7;
	v2 =	vmul.f32 $8.000000000e+00, v6;
	v8 =	vld [tilespmem:s10+$0xFFFFFF70]  }
0xa4: {  	v7 =	vld [tilespmem:s10+$0xFFFFFFB0];
	[tilespmem:s17+$0xFFFFFFE0] =	vst v1;
	v1 =	vmul.f32 $8.000000000e+00, v0  }
0xa5: {  	[tilespmem:s17+$0x20] =	vst v2;
	v0 =	vld [tilespmem:s10+$0xFFFFFFF0];
	v4 =	vmul.f32 $8.000000000e+00, v4  }
0xa6: {  	v5 =	vmul.f32 $8.000000000e+00, v5;
	v2 =	vld [tilespmem:s10+$0x30];
	[tilespmem:s17+$0x60] =	vst v1  }
0xa7: {  	v1 =	vld [tilespmem:s10+$0x70];
	[tilespmem:s17+$0xA0] =	vst v4;
	v9 =	vmul.f32 $8.000000000e+00, v3  }
0xa8: {  	[tilespmem:s17+$0xFFFFFF20] =	vst v5;
	v3 =	vld [tilespmem:s10+$0xB0];
	v6 =	vmul.f32 $8.000000000e+00, v8  }
0xa9: {  	s6 =	simm.s32 $0x0;
	v4 =	vld [tilespmem:s10+$0xFFFFFF30];
	v5 =	vmul.f32 $8.000000000e+00, v7;
	s10 =	simm.s32 $0x8700;
	[tilespmem:s17+$0xF0] =	vst v9  }
.LBB2_9:
0xaa: {  	v7 =	vld [tilespmem:s10+$0xC0];
	s6 =	sadd.s32 $0x8, s6;
	[tilespmem:s17+$0xFFFFFF70] =	vst v6;
	v0 =	vmul.f32 $8.000000000e+00, v0  }
0xab: {  	v6 =	vld [tilespmem:s10+$0xFFFFFF40];
	p2 =	slt.u32 s6, $0x78;
	[tilespmem:s17+$0xFFFFFFB0] =	vst v5;
	v2 =	vmul.f32 $8.000000000e+00, v2  }
0xac: {  	v5 =	vld [tilespmem:s10+$0xFFFFFF80];
	[tilespmem:s17+$0xFFFFFFF0] =	vst v0;
	v0 =	vmul.f32 $8.000000000e+00, v1  }
0xad: {  	v1 =	vld [tilespmem:s10+$0xFFFFFFC0];
	[tilespmem:s17+$0x30] =	vst v2;
	v2 =	vmul.f32 $8.000000000e+00, v3  }
0xae: {  	v3 =	vld [tilespmem:s10+$0x0];
	v4 =	vmul.f32 $8.000000000e+00, v4;
	[tilespmem:s17+$0x70] =	vst v0  }
0xaf: {  	v0 =	vld [tilespmem:s10+$0x40];
	v7 =	vmul.f32 $8.000000000e+00, v7;
	[tilespmem:s17+$0xB0] =	vst v2  }
0xb0: {  	v2 =	vmul.f32 $8.000000000e+00, v6;
	v6 =	vld [tilespmem:s10+$0x80];
	[tilespmem:s17+$0xFFFFFF30] =	vst v4;
	s17 =	sadd.s32 $0x200, s17  }
0xb1: {  	v4 =	vld [tilespmem:s10+$0xFFFFFF00];
	v5 =	vmul.f32 $8.000000000e+00, v5;
	[tilespmem:s17+$0xC0] =	vst v7  }
0xb2: {  	[tilespmem:s17+$0xFFFFFF40] =	vst v2;
	v1 =	vmul.f32 $8.000000000e+00, v1;
	v2 =	vld [tilespmem:s10+$0xD0]  }
0xb3: {  	v7 =	vld [tilespmem:s10+$0xFFFFFF50];
	[tilespmem:s17+$0xFFFFFF80] =	vst v5;
	v3 =	vmul.f32 $8.000000000e+00, v3  }
0xb4: {  	v5 =	vld [tilespmem:s10+$0xFFFFFF90];
	[tilespmem:s17+$0xFFFFFFC0] =	vst v1;
	v0 =	vmul.f32 $8.000000000e+00, v0  }
0xb5: {  	v1 =	vld [tilespmem:s10+$0xFFFFFFD0];
	[tilespmem:s17+$0x0] =	vst v3;
	v3 =	vmul.f32 $8.000000000e+00, v6  }
0xb6: {  	v4 =	vmul.f32 $8.000000000e+00, v4;
	v6 =	vld [tilespmem:s10+$0x10];
	[tilespmem:s17+$0x40] =	vst v0  }
0xb7: {  	v0 =	vld [tilespmem:s10+$0x50];
	[tilespmem:s17+$0x80] =	vst v3;
	v2 =	vmul.f32 $8.000000000e+00, v2  }
0xb8: {  	[tilespmem:s17+$0xFFFFFF00] =	vst v4;
	v3 =	vmul.f32 $8.000000000e+00, v7;
	v4 =	vld [tilespmem:s10+$0x90]  }
0xb9: {  	v7 =	vld [tilespmem:s10+$0xFFFFFF10];
	v5 =	vmul.f32 $8.000000000e+00, v5;
	[tilespmem:s17+$0xD0] =	vst v2  }
0xba: {  	[tilespmem:s17+$0xFFFFFF50] =	vst v3;
	v1 =	vmul.f32 $8.000000000e+00, v1;
	v2 =	vld [tilespmem:s10+$0xE0]  }
0xbb: {  	v3 =	vld [tilespmem:s10+$0xFFFFFF60];
	[tilespmem:s17+$0xFFFFFF90] =	vst v5;
	v5 =	vmul.f32 $8.000000000e+00, v6  }
0xbc: {  	v6 =	vld [tilespmem:s10+$0xFFFFFFA0];
	[tilespmem:s17+$0xFFFFFFD0] =	vst v1;
	v0 =	vmul.f32 $8.000000000e+00, v0  }
0xbd: {  	v1 =	vld [tilespmem:s10+$0xFFFFFFE0];
	[tilespmem:s17+$0x10] =	vst v5;
	v4 =	vmul.f32 $8.000000000e+00, v4  }
0xbe: {  	v5 =	vmul.f32 $8.000000000e+00, v7;
	v7 =	vld [tilespmem:s10+$0x20];
	[tilespmem:s17+$0x50] =	vst v0  }
0xbf: {  	v0 =	vld [tilespmem:s10+$0x60];
	[tilespmem:s17+$0x90] =	vst v4;
	v2 =	vmul.f32 $8.000000000e+00, v2  }
0xc0: {  	[tilespmem:s17+$0xFFFFFF10] =	vst v5;
	v3 =	vmul.f32 $8.000000000e+00, v3;
	v4 =	vld [tilespmem:s10+$0xA0]  }
0xc1: {  	v5 =	vld [tilespmem:s10+$0xFFFFFF20];
	v6 =	vmul.f32 $8.000000000e+00, v6;
	[tilespmem:s17+$0xE0] =	vst v2  }
0xc2: {  	[tilespmem:s17+$0xFFFFFF60] =	vst v3;
	v1 =	vmul.f32 $8.000000000e+00, v1;
	v3 =	vld [tilespmem:s10+$0xF0]  }
0xc3: {  	v8 =	vld [tilespmem:s10+$0xFFFFFF70];
	[tilespmem:s17+$0xFFFFFFA0] =	vst v6;
	v2 =	vmul.f32 $8.000000000e+00, v7  }
0xc4: {  	v7 =	vld [tilespmem:s10+$0xFFFFFFB0];
	[tilespmem:s17+$0xFFFFFFE0] =	vst v1;
	v1 =	vmul.f32 $8.000000000e+00, v0  }
.Ltmp6:
0xc5: {  	v0 =	vld [tilespmem:s10+$0xFFFFFFF0];
	[tilespmem:s17+$0x20] =	vst v2;
	v4 =	vmul.f32 $8.000000000e+00, v4;
	(pc) =	sbr.rel @p2 .LBB2_9-.Ltmp6, $4  }
0xc6: {  	v5 =	vmul.f32 $8.000000000e+00, v5;
	v2 =	vld [tilespmem:s10+$0x30];
	[tilespmem:s17+$0x60] =	vst v1  }
0xc7: {  	v1 =	vld [tilespmem:s10+$0x70];
	[tilespmem:s17+$0xA0] =	vst v4;
	v9 =	vmul.f32 $8.000000000e+00, v3  }
0xc8: {  	[tilespmem:s17+$0xFFFFFF20] =	vst v5;
	v6 =	vmul.f32 $8.000000000e+00, v8;
	v3 =	vld [tilespmem:s10+$0xB0]  }
0xc9: {  	v4 =	vld [tilespmem:s10+$0xFFFFFF30];
	v5 =	vmul.f32 $8.000000000e+00, v7;
	[tilespmem:s17+$0xF0] =	vst v9;
	s10 =	sadd.s32 $0x200, s10  }
0xca: {  	[tilespmem:s17+$0xFFFFFF70] =	vst v6;
	v0 =	vmul.f32 $8.000000000e+00, v0  }
0xcb: {  	[tilespmem:s17+$0xFFFFFFB0] =	vst v5;
	v2 =	vmul.f32 $8.000000000e+00, v2  }
0xcc: {  	[tilespmem:s17+$0xFFFFFFF0] =	vst v0;
	v61 =	vmul.f32 $8.000000000e+00, v1  }
.Ltmp7:
0xcd: {  	s6 =	sadd.s32 s15, s7;
	[tilespmem:s17+$0x30] =	vst v2;
	v62 =	vmul.f32 $8.000000000e+00, v3;
	(pc) =	sbr.rel @p1 .LBB2_12-.Ltmp7, $4  }
0xce: {  	s6 =	sshll.u32 s6, $0xA;
	v63 =	vmul.f32 $8.000000000e+00, v4;
	[tilespmem:s17+$0x70] =	vst v61  }
0xcf: {  	s6 =	sand.u32 $0x1FFFF400, s6;
	[tilespmem:s17+$0xB0] =	vst v62  }
0xd0: {  	s6 =	sadd.s32 s2, s6;
	[tilespmem:s17+$0xFFFFFF30] =	vst v63  }
0xd1: {  	[hbm4b:s6+s3] =	stream.linear.scatter [tilespmem:s23], [sflag:$0x6], $0x2000, $0x38;
	[tilespmem:$0x16400] =	vst v63  }
.Ltmp8:
0xd2: {  	(pc) =	sbr.rel .LBB2_13-.Ltmp8, $4  }
0xd3: {  	_ = 	snop  }
0xd4: {  	_ =	swait.ge [sflag:s24], $0x2000  }
0xd5: {  	[sflag:s24] =	ssyncset.done $0x0  }
0xd6: {  	[sflag:s24] =	ssyncadd.s32 $0xFFFFE000  }
.LBB2_12:
0xd7: {  	s6 =	sshll.u32 s0, $0x9  }
0xd8: {  	s6 =	sand.u32 $0x3FFFFE00, s6  }
.Ltmp9:
0xd9: {  	s6 =	sadd.s32 $0x280, s6;
	(pc) =	sbr.rel @p0 .LBB2_14-.Ltmp9, $4  }
0xda: {  	[tilespmem:s14], [sflag:$0x2] =	stream.indirect.gather [hbm4b:s5+s12], $0x40, s6, s12, $0xb8;
	[tilespmem:$0x16400] =	vst v63  }
0xdb: {  	_ =	swait.ge [sflag:s24], $0x2000  }
0xdc: {  	[sflag:s24] =	ssyncset.done $0x0  }
0xdd: {  	[sflag:s24] =	ssyncadd.s32 $0xFFFFE000  }
.LBB2_13:
0xde: {  	_ =	swait.ge [sflag:s25], $0x2000  }
0xdf: {  	[sflag:s25] =	ssyncset.done $0x0  }
0xe0: {  	[sflag:s25] =	ssyncadd.s32 $0xFFFFE000  }
.LBB2_14:
0xe1: {  	s10 =	simm.s32 $0xA500  }
0xe2: {  	v0 =	vld [tilespmem:s10+$0xC0]  }
0xe3: {  	v1 =	vld [tilespmem:s10+$0xFFFFFF40]  }
0xe4: {  	v2 =	vld [tilespmem:s10+$0xFFFFFF80]  }
0xe5: {  	v3 =	vld [tilespmem:s10+$0xFFFFFFC0]  }
0xe6: {  	v4 =	vld [tilespmem:s10+$0x0]  }
0xe7: {  	v5 =	vld [tilespmem:s10+$0x40];
	v0 =	vmul.f32 $8.000000000e+00, v0  }
0xe8: {  	s17 =	simm.s32 $0x12500;
	v6 =	vld [tilespmem:s10+$0x80];
	v1 =	vmul.f32 $8.000000000e+00, v1  }
0xe9: {  	v7 =	vld [tilespmem:s10+$0xFFFFFF00];
	v2 =	vmul.f32 $8.000000000e+00, v2;
	[tilespmem:s17+$0xC0] =	vst v0  }
0xea: {  	[tilespmem:s17+$0xFFFFFF40] =	vst v1;
	v0 =	vmul.f32 $8.000000000e+00, v3;
	v1 =	vld [tilespmem:s10+$0xD0]  }
0xeb: {  	[tilespmem:s17+$0xFFFFFF80] =	vst v2;
	v2 =	vmul.f32 $8.000000000e+00, v4;
	v3 =	vld [tilespmem:s10+$0xFFFFFF50]  }
0xec: {  	v4 =	vld [tilespmem:s10+$0xFFFFFF90];
	[tilespmem:s17+$0xFFFFFFC0] =	vst v0;
	v0 =	vmul.f32 $8.000000000e+00, v5  }
0xed: {  	[tilespmem:s17+$0x0] =	vst v2;
	v2 =	vmul.f32 $8.000000000e+00, v6;
	v5 =	vld [tilespmem:s10+$0xFFFFFFD0]  }
0xee: {  	v6 =	vmul.f32 $8.000000000e+00, v7;
	v7 =	vld [tilespmem:s10+$0x10];
	[tilespmem:s17+$0x40] =	vst v0  }
0xef: {  	[tilespmem:s17+$0x80] =	vst v2;
	v0 =	vld [tilespmem:s10+$0x50];
	v1 =	vmul.f32 $8.000000000e+00, v1  }
0xf0: {  	[tilespmem:s17+$0xFFFFFF00] =	vst v6;
	v2 =	vmul.f32 $8.000000000e+00, v3;
	v3 =	vld [tilespmem:s10+$0x90]  }
0xf1: {  	v6 =	vld [tilespmem:s10+$0xFFFFFF10];
	v4 =	vmul.f32 $8.000000000e+00, v4;
	[tilespmem:s17+$0xD0] =	vst v1  }
0xf2: {  	[tilespmem:s17+$0xFFFFFF50] =	vst v2;
	v1 =	vmul.f32 $8.000000000e+00, v5;
	v2 =	vld [tilespmem:s10+$0xE0]  }
0xf3: {  	[tilespmem:s17+$0xFFFFFF90] =	vst v4;
	v4 =	vmul.f32 $8.000000000e+00, v7;
	v5 =	vld [tilespmem:s10+$0xFFFFFF60]  }
0xf4: {  	v7 =	vld [tilespmem:s10+$0xFFFFFFA0];
	[tilespmem:s17+$0xFFFFFFD0] =	vst v1;
	v0 =	vmul.f32 $8.000000000e+00, v0  }
0xf5: {  	[tilespmem:s17+$0x10] =	vst v4;
	v1 =	vld [tilespmem:s10+$0xFFFFFFE0];
	v3 =	vmul.f32 $8.000000000e+00, v3  }
0xf6: {  	v4 =	vmul.f32 $8.000000000e+00, v6;
	v6 =	vld [tilespmem:s10+$0x20];
	[tilespmem:s17+$0x50] =	vst v0  }
0xf7: {  	v0 =	vld [tilespmem:s10+$0x60];
	[tilespmem:s17+$0x90] =	vst v3;
	v2 =	vmul.f32 $8.000000000e+00, v2  }
0xf8: {  	[tilespmem:s17+$0xFFFFFF10] =	vst v4;
	v3 =	vmul.f32 $8.000000000e+00, v5;
	v4 =	vld [tilespmem:s10+$0xA0]  }
0xf9: {  	v5 =	vld [tilespmem:s10+$0xFFFFFF20];
	v7 =	vmul.f32 $8.000000000e+00, v7;
	[tilespmem:s17+$0xE0] =	vst v2  }
0xfa: {  	[tilespmem:s17+$0xFFFFFF60] =	vst v3;
	v1 =	vmul.f32 $8.000000000e+00, v1;
	v3 =	vld [tilespmem:s10+$0xF0]  }
0xfb: {  	[tilespmem:s17+$0xFFFFFFA0] =	vst v7;
	v2 =	vmul.f32 $8.000000000e+00, v6;
	v8 =	vld [tilespmem:s10+$0xFFFFFF70]  }
0xfc: {  	v7 =	vld [tilespmem:s10+$0xFFFFFFB0];
	[tilespmem:s17+$0xFFFFFFE0] =	vst v1;
	v1 =	vmul.f32 $8.000000000e+00, v0  }
0xfd: {  	[tilespmem:s17+$0x20] =	vst v2;
	v0 =	vld [tilespmem:s10+$0xFFFFFFF0];
	v4 =	vmul.f32 $8.000000000e+00, v4  }
0xfe: {  	v5 =	vmul.f32 $8.000000000e+00, v5;
	v2 =	vld [tilespmem:s10+$0x30];
	[tilespmem:s17+$0x60] =	vst v1  }
0xff: {  	v1 =	vld [tilespmem:s10+$0x70];
	[tilespmem:s17+$0xA0] =	vst v4;
	v9 =	vmul.f32 $8.000000000e+00, v3  }
0x100: {  	[tilespmem:s17+$0xFFFFFF20] =	vst v5;
	v3 =	vld [tilespmem:s10+$0xB0];
	v6 =	vmul.f32 $8.000000000e+00, v8  }
0x101: {  	s6 =	simm.s32 $0x0;
	v4 =	vld [tilespmem:s10+$0xFFFFFF30];
	v5 =	vmul.f32 $8.000000000e+00, v7;
	s10 =	simm.s32 $0xA700;
	[tilespmem:s17+$0xF0] =	vst v9  }
.LBB2_15:
0x102: {  	v7 =	vld [tilespmem:s10+$0xC0];
	s6 =	sadd.s32 $0x8, s6;
	[tilespmem:s17+$0xFFFFFF70] =	vst v6;
	v0 =	vmul.f32 $8.000000000e+00, v0  }
0x103: {  	v6 =	vld [tilespmem:s10+$0xFFFFFF40];
	p2 =	slt.u32 s6, $0x78;
	[tilespmem:s17+$0xFFFFFFB0] =	vst v5;
	v2 =	vmul.f32 $8.000000000e+00, v2  }
0x104: {  	v5 =	vld [tilespmem:s10+$0xFFFFFF80];
	[tilespmem:s17+$0xFFFFFFF0] =	vst v0;
	v0 =	vmul.f32 $8.000000000e+00, v1  }
0x105: {  	v1 =	vld [tilespmem:s10+$0xFFFFFFC0];
	[tilespmem:s17+$0x30] =	vst v2;
	v2 =	vmul.f32 $8.000000000e+00, v3  }
0x106: {  	v3 =	vld [tilespmem:s10+$0x0];
	v4 =	vmul.f32 $8.000000000e+00, v4;
	[tilespmem:s17+$0x70] =	vst v0  }
0x107: {  	v0 =	vld [tilespmem:s10+$0x40];
	v7 =	vmul.f32 $8.000000000e+00, v7;
	[tilespmem:s17+$0xB0] =	vst v2  }
0x108: {  	v2 =	vmul.f32 $8.000000000e+00, v6;
	v6 =	vld [tilespmem:s10+$0x80];
	[tilespmem:s17+$0xFFFFFF30] =	vst v4;
	s17 =	sadd.s32 $0x200, s17  }
0x109: {  	v4 =	vld [tilespmem:s10+$0xFFFFFF00];
	v5 =	vmul.f32 $8.000000000e+00, v5;
	[tilespmem:s17+$0xC0] =	vst v7  }
0x10a: {  	[tilespmem:s17+$0xFFFFFF40] =	vst v2;
	v1 =	vmul.f32 $8.000000000e+00, v1;
	v2 =	vld [tilespmem:s10+$0xD0]  }
0x10b: {  	v7 =	vld [tilespmem:s10+$0xFFFFFF50];
	[tilespmem:s17+$0xFFFFFF80] =	vst v5;
	v3 =	vmul.f32 $8.000000000e+00, v3  }
0x10c: {  	v5 =	vld [tilespmem:s10+$0xFFFFFF90];
	[tilespmem:s17+$0xFFFFFFC0] =	vst v1;
	v0 =	vmul.f32 $8.000000000e+00, v0  }
0x10d: {  	v1 =	vld [tilespmem:s10+$0xFFFFFFD0];
	[tilespmem:s17+$0x0] =	vst v3;
	v3 =	vmul.f32 $8.000000000e+00, v6  }
0x10e: {  	v4 =	vmul.f32 $8.000000000e+00, v4;
	v6 =	vld [tilespmem:s10+$0x10];
	[tilespmem:s17+$0x40] =	vst v0  }
0x10f: {  	v0 =	vld [tilespmem:s10+$0x50];
	[tilespmem:s17+$0x80] =	vst v3;
	v2 =	vmul.f32 $8.000000000e+00, v2  }
0x110: {  	[tilespmem:s17+$0xFFFFFF00] =	vst v4;
	v3 =	vmul.f32 $8.000000000e+00, v7;
	v4 =	vld [tilespmem:s10+$0x90]  }
0x111: {  	v7 =	vld [tilespmem:s10+$0xFFFFFF10];
	v5 =	vmul.f32 $8.000000000e+00, v5;
	[tilespmem:s17+$0xD0] =	vst v2  }
0x112: {  	[tilespmem:s17+$0xFFFFFF50] =	vst v3;
	v1 =	vmul.f32 $8.000000000e+00, v1;
	v2 =	vld [tilespmem:s10+$0xE0]  }
0x113: {  	v3 =	vld [tilespmem:s10+$0xFFFFFF60];
	[tilespmem:s17+$0xFFFFFF90] =	vst v5;
	v5 =	vmul.f32 $8.000000000e+00, v6  }
0x114: {  	v6 =	vld [tilespmem:s10+$0xFFFFFFA0];
	[tilespmem:s17+$0xFFFFFFD0] =	vst v1;
	v0 =	vmul.f32 $8.000000000e+00, v0  }
0x115: {  	v1 =	vld [tilespmem:s10+$0xFFFFFFE0];
	[tilespmem:s17+$0x10] =	vst v5;
	v4 =	vmul.f32 $8.000000000e+00, v4  }
0x116: {  	v5 =	vmul.f32 $8.000000000e+00, v7;
	v7 =	vld [tilespmem:s10+$0x20];
	[tilespmem:s17+$0x50] =	vst v0  }
0x117: {  	v0 =	vld [tilespmem:s10+$0x60];
	[tilespmem:s17+$0x90] =	vst v4;
	v2 =	vmul.f32 $8.000000000e+00, v2  }
0x118: {  	[tilespmem:s17+$0xFFFFFF10] =	vst v5;
	v3 =	vmul.f32 $8.000000000e+00, v3;
	v4 =	vld [tilespmem:s10+$0xA0]  }
0x119: {  	v5 =	vld [tilespmem:s10+$0xFFFFFF20];
	v6 =	vmul.f32 $8.000000000e+00, v6;
	[tilespmem:s17+$0xE0] =	vst v2  }
0x11a: {  	[tilespmem:s17+$0xFFFFFF60] =	vst v3;
	v1 =	vmul.f32 $8.000000000e+00, v1;
	v3 =	vld [tilespmem:s10+$0xF0]  }
0x11b: {  	v8 =	vld [tilespmem:s10+$0xFFFFFF70];
	[tilespmem:s17+$0xFFFFFFA0] =	vst v6;
	v2 =	vmul.f32 $8.000000000e+00, v7  }
0x11c: {  	v7 =	vld [tilespmem:s10+$0xFFFFFFB0];
	[tilespmem:s17+$0xFFFFFFE0] =	vst v1;
	v1 =	vmul.f32 $8.000000000e+00, v0  }
.Ltmp10:
0x11d: {  	v0 =	vld [tilespmem:s10+$0xFFFFFFF0];
	[tilespmem:s17+$0x20] =	vst v2;
	v4 =	vmul.f32 $8.000000000e+00, v4;
	(pc) =	sbr.rel @p2 .LBB2_15-.Ltmp10, $4  }
0x11e: {  	v5 =	vmul.f32 $8.000000000e+00, v5;
	v2 =	vld [tilespmem:s10+$0x30];
	[tilespmem:s17+$0x60] =	vst v1  }
0x11f: {  	v1 =	vld [tilespmem:s10+$0x70];
	[tilespmem:s17+$0xA0] =	vst v4;
	v9 =	vmul.f32 $8.000000000e+00, v3  }
0x120: {  	[tilespmem:s17+$0xFFFFFF20] =	vst v5;
	v6 =	vmul.f32 $8.000000000e+00, v8;
	v3 =	vld [tilespmem:s10+$0xB0]  }
0x121: {  	v4 =	vld [tilespmem:s10+$0xFFFFFF30];
	v5 =	vmul.f32 $8.000000000e+00, v7;
	[tilespmem:s17+$0xF0] =	vst v9;
	s10 =	sadd.s32 $0x200, s10  }
0x122: {  	[tilespmem:s17+$0xFFFFFF70] =	vst v6;
	v0 =	vmul.f32 $8.000000000e+00, v0  }
0x123: {  	[tilespmem:s17+$0xFFFFFFB0] =	vst v5;
	v2 =	vmul.f32 $8.000000000e+00, v2  }
0x124: {  	[tilespmem:s17+$0xFFFFFFF0] =	vst v0;
	v61 =	vmul.f32 $8.000000000e+00, v1  }
.Ltmp11:
0x125: {  	s6 =	sadd.s32 s15, s8;
	[tilespmem:s17+$0x30] =	vst v2;
	v62 =	vmul.f32 $8.000000000e+00, v3;
	(pc) =	sbr.rel @p1 .LBB2_18-.Ltmp11, $4  }
0x126: {  	s6 =	sshll.u32 s6, $0xA;
	v63 =	vmul.f32 $8.000000000e+00, v4;
	[tilespmem:s17+$0x70] =	vst v61  }
0x127: {  	s6 =	sand.u32 $0x1FFFF800, s6;
	[tilespmem:s17+$0xB0] =	vst v62  }
0x128: {  	s6 =	sadd.s32 s2, s6;
	[tilespmem:s17+$0xFFFFFF30] =	vst v63  }
0x129: {  	[hbm4b:s6+s3] =	stream.linear.scatter [tilespmem:s26], [sflag:$0x7], $0x2000, $0x38;
	[tilespmem:$0x16400] =	vst v63  }
.Ltmp12:
0x12a: {  	(pc) =	sbr.rel .LBB2_19-.Ltmp12, $4  }
0x12b: {  	_ = 	snop  }
0x12c: {  	_ =	swait.ge [sflag:s28], $0x2000  }
0x12d: {  	[sflag:s28] =	ssyncset.done $0x0  }
0x12e: {  	[sflag:s28] =	ssyncadd.s32 $0xFFFFE000  }
.LBB2_18:
0x12f: {  	s6 =	sshll.u32 s0, $0x9  }
0x130: {  	s6 =	sand.u32 $0x3FFFFE00, s6  }
.Ltmp13:
0x131: {  	s6 =	sadd.s32 $0x300, s6;
	(pc) =	sbr.rel @p0 .LBB2_20-.Ltmp13, $4  }
0x132: {  	[tilespmem:s16], [sflag:$0x3] =	stream.indirect.gather [hbm4b:s5+s12], $0x40, s6, s12, $0xb8;
	[tilespmem:$0x16400] =	vst v63  }
0x133: {  	_ =	swait.ge [sflag:s28], $0x2000  }
0x134: {  	[sflag:s28] =	ssyncset.done $0x0  }
0x135: {  	[sflag:s28] =	ssyncadd.s32 $0xFFFFE000  }
.LBB2_19:
0x136: {  	_ =	swait.ge [sflag:s29], $0x2000  }
0x137: {  	[sflag:s29] =	ssyncset.done $0x0  }
0x138: {  	[sflag:s29] =	ssyncadd.s32 $0xFFFFE000  }
.LBB2_20:
0x139: {  	s10 =	simm.s32 $0xC500  }
0x13a: {  	v0 =	vld [tilespmem:s10+$0xC0]  }
0x13b: {  	v1 =	vld [tilespmem:s10+$0xFFFFFF40]  }
0x13c: {  	v2 =	vld [tilespmem:s10+$0xFFFFFF80]  }
0x13d: {  	v3 =	vld [tilespmem:s10+$0xFFFFFFC0]  }
0x13e: {  	v4 =	vld [tilespmem:s10+$0x0]  }
0x13f: {  	v5 =	vld [tilespmem:s10+$0x40];
	v0 =	vmul.f32 $8.000000000e+00, v0  }
0x140: {  	s17 =	simm.s32 $0x14500;
	v6 =	vld [tilespmem:s10+$0x80];
	v1 =	vmul.f32 $8.000000000e+00, v1  }
0x141: {  	v7 =	vld [tilespmem:s10+$0xFFFFFF00];
	v2 =	vmul.f32 $8.000000000e+00, v2;
	[tilespmem:s17+$0xC0] =	vst v0  }
0x142: {  	[tilespmem:s17+$0xFFFFFF40] =	vst v1;
	v0 =	vmul.f32 $8.000000000e+00, v3;
	v1 =	vld [tilespmem:s10+$0xD0]  }
0x143: {  	[tilespmem:s17+$0xFFFFFF80] =	vst v2;
	v2 =	vmul.f32 $8.000000000e+00, v4;
	v3 =	vld [tilespmem:s10+$0xFFFFFF50]  }
0x144: {  	v4 =	vld [tilespmem:s10+$0xFFFFFF90];
	[tilespmem:s17+$0xFFFFFFC0] =	vst v0;
	v0 =	vmul.f32 $8.000000000e+00, v5  }
0x145: {  	[tilespmem:s17+$0x0] =	vst v2;
	v2 =	vmul.f32 $8.000000000e+00, v6;
	v5 =	vld [tilespmem:s10+$0xFFFFFFD0]  }
0x146: {  	v6 =	vmul.f32 $8.000000000e+00, v7;
	v7 =	vld [tilespmem:s10+$0x10];
	[tilespmem:s17+$0x40] =	vst v0  }
0x147: {  	[tilespmem:s17+$0x80] =	vst v2;
	v0 =	vld [tilespmem:s10+$0x50];
	v1 =	vmul.f32 $8.000000000e+00, v1  }
0x148: {  	[tilespmem:s17+$0xFFFFFF00] =	vst v6;
	v2 =	vmul.f32 $8.000000000e+00, v3;
	v3 =	vld [tilespmem:s10+$0x90]  }
0x149: {  	v6 =	vld [tilespmem:s10+$0xFFFFFF10];
	v4 =	vmul.f32 $8.000000000e+00, v4;
	[tilespmem:s17+$0xD0] =	vst v1  }
0x14a: {  	[tilespmem:s17+$0xFFFFFF50] =	vst v2;
	v1 =	vmul.f32 $8.000000000e+00, v5;
	v2 =	vld [tilespmem:s10+$0xE0]  }
0x14b: {  	[tilespmem:s17+$0xFFFFFF90] =	vst v4;
	v4 =	vmul.f32 $8.000000000e+00, v7;
	v5 =	vld [tilespmem:s10+$0xFFFFFF60]  }
0x14c: {  	v7 =	vld [tilespmem:s10+$0xFFFFFFA0];
	[tilespmem:s17+$0xFFFFFFD0] =	vst v1;
	v0 =	vmul.f32 $8.000000000e+00, v0  }
0x14d: {  	[tilespmem:s17+$0x10] =	vst v4;
	v1 =	vld [tilespmem:s10+$0xFFFFFFE0];
	v3 =	vmul.f32 $8.000000000e+00, v3  }
0x14e: {  	v4 =	vmul.f32 $8.000000000e+00, v6;
	v6 =	vld [tilespmem:s10+$0x20];
	[tilespmem:s17+$0x50] =	vst v0  }
0x14f: {  	v0 =	vld [tilespmem:s10+$0x60];
	[tilespmem:s17+$0x90] =	vst v3;
	v2 =	vmul.f32 $8.000000000e+00, v2  }
0x150: {  	[tilespmem:s17+$0xFFFFFF10] =	vst v4;
	v3 =	vmul.f32 $8.000000000e+00, v5;
	v4 =	vld [tilespmem:s10+$0xA0]  }
0x151: {  	v5 =	vld [tilespmem:s10+$0xFFFFFF20];
	v7 =	vmul.f32 $8.000000000e+00, v7;
	[tilespmem:s17+$0xE0] =	vst v2  }
0x152: {  	[tilespmem:s17+$0xFFFFFF60] =	vst v3;
	v1 =	vmul.f32 $8.000000000e+00, v1;
	v3 =	vld [tilespmem:s10+$0xF0]  }
0x153: {  	[tilespmem:s17+$0xFFFFFFA0] =	vst v7;
	v2 =	vmul.f32 $8.000000000e+00, v6;
	v8 =	vld [tilespmem:s10+$0xFFFFFF70]  }
0x154: {  	v7 =	vld [tilespmem:s10+$0xFFFFFFB0];
	[tilespmem:s17+$0xFFFFFFE0] =	vst v1;
	v1 =	vmul.f32 $8.000000000e+00, v0  }
0x155: {  	[tilespmem:s17+$0x20] =	vst v2;
	v0 =	vld [tilespmem:s10+$0xFFFFFFF0];
	v4 =	vmul.f32 $8.000000000e+00, v4  }
0x156: {  	v5 =	vmul.f32 $8.000000000e+00, v5;
	v2 =	vld [tilespmem:s10+$0x30];
	[tilespmem:s17+$0x60] =	vst v1  }
0x157: {  	v1 =	vld [tilespmem:s10+$0x70];
	[tilespmem:s17+$0xA0] =	vst v4;
	v9 =	vmul.f32 $8.000000000e+00, v3  }
0x158: {  	[tilespmem:s17+$0xFFFFFF20] =	vst v5;
	v3 =	vld [tilespmem:s10+$0xB0];
	v6 =	vmul.f32 $8.000000000e+00, v8  }
0x159: {  	s6 =	simm.s32 $0x0;
	v4 =	vld [tilespmem:s10+$0xFFFFFF30];
	v5 =	vmul.f32 $8.000000000e+00, v7;
	s10 =	simm.s32 $0xC700;
	[tilespmem:s17+$0xF0] =	vst v9  }
.LBB2_21:
0x15a: {  	v7 =	vld [tilespmem:s10+$0xC0];
	s6 =	sadd.s32 $0x8, s6;
	[tilespmem:s17+$0xFFFFFF70] =	vst v6;
	v0 =	vmul.f32 $8.000000000e+00, v0  }
0x15b: {  	v6 =	vld [tilespmem:s10+$0xFFFFFF40];
	p0 =	slt.u32 s6, $0x78;
	[tilespmem:s17+$0xFFFFFFB0] =	vst v5;
	v2 =	vmul.f32 $8.000000000e+00, v2  }
0x15c: {  	v5 =	vld [tilespmem:s10+$0xFFFFFF80];
	[tilespmem:s17+$0xFFFFFFF0] =	vst v0;
	v0 =	vmul.f32 $8.000000000e+00, v1  }
0x15d: {  	v1 =	vld [tilespmem:s10+$0xFFFFFFC0];
	[tilespmem:s17+$0x30] =	vst v2;
	v2 =	vmul.f32 $8.000000000e+00, v3  }
0x15e: {  	v3 =	vld [tilespmem:s10+$0x0];
	v4 =	vmul.f32 $8.000000000e+00, v4;
	[tilespmem:s17+$0x70] =	vst v0  }
0x15f: {  	v0 =	vld [tilespmem:s10+$0x40];
	v7 =	vmul.f32 $8.000000000e+00, v7;
	[tilespmem:s17+$0xB0] =	vst v2  }
0x160: {  	v2 =	vmul.f32 $8.000000000e+00, v6;
	v6 =	vld [tilespmem:s10+$0x80];
	[tilespmem:s17+$0xFFFFFF30] =	vst v4;
	s17 =	sadd.s32 $0x200, s17  }
0x161: {  	v4 =	vld [tilespmem:s10+$0xFFFFFF00];
	v5 =	vmul.f32 $8.000000000e+00, v5;
	[tilespmem:s17+$0xC0] =	vst v7  }
0x162: {  	[tilespmem:s17+$0xFFFFFF40] =	vst v2;
	v1 =	vmul.f32 $8.000000000e+00, v1;
	v2 =	vld [tilespmem:s10+$0xD0]  }
0x163: {  	v7 =	vld [tilespmem:s10+$0xFFFFFF50];
	[tilespmem:s17+$0xFFFFFF80] =	vst v5;
	v3 =	vmul.f32 $8.000000000e+00, v3  }
0x164: {  	v5 =	vld [tilespmem:s10+$0xFFFFFF90];
	[tilespmem:s17+$0xFFFFFFC0] =	vst v1;
	v0 =	vmul.f32 $8.000000000e+00, v0  }
0x165: {  	v1 =	vld [tilespmem:s10+$0xFFFFFFD0];
	[tilespmem:s17+$0x0] =	vst v3;
	v3 =	vmul.f32 $8.000000000e+00, v6  }
0x166: {  	v4 =	vmul.f32 $8.000000000e+00, v4;
	v6 =	vld [tilespmem:s10+$0x10];
	[tilespmem:s17+$0x40] =	vst v0  }
0x167: {  	v0 =	vld [tilespmem:s10+$0x50];
	[tilespmem:s17+$0x80] =	vst v3;
	v2 =	vmul.f32 $8.000000000e+00, v2  }
0x168: {  	[tilespmem:s17+$0xFFFFFF00] =	vst v4;
	v3 =	vmul.f32 $8.000000000e+00, v7;
	v4 =	vld [tilespmem:s10+$0x90]  }
0x169: {  	v7 =	vld [tilespmem:s10+$0xFFFFFF10];
	v5 =	vmul.f32 $8.000000000e+00, v5;
	[tilespmem:s17+$0xD0] =	vst v2  }
0x16a: {  	[tilespmem:s17+$0xFFFFFF50] =	vst v3;
	v1 =	vmul.f32 $8.000000000e+00, v1;
	v2 =	vld [tilespmem:s10+$0xE0]  }
0x16b: {  	v3 =	vld [tilespmem:s10+$0xFFFFFF60];
	[tilespmem:s17+$0xFFFFFF90] =	vst v5;
	v5 =	vmul.f32 $8.000000000e+00, v6  }
0x16c: {  	v6 =	vld [tilespmem:s10+$0xFFFFFFA0];
	[tilespmem:s17+$0xFFFFFFD0] =	vst v1;
	v0 =	vmul.f32 $8.000000000e+00, v0  }
0x16d: {  	v1 =	vld [tilespmem:s10+$0xFFFFFFE0];
	[tilespmem:s17+$0x10] =	vst v5;
	v4 =	vmul.f32 $8.000000000e+00, v4  }
0x16e: {  	v5 =	vmul.f32 $8.000000000e+00, v7;
	v7 =	vld [tilespmem:s10+$0x20];
	[tilespmem:s17+$0x50] =	vst v0  }
0x16f: {  	v0 =	vld [tilespmem:s10+$0x60];
	[tilespmem:s17+$0x90] =	vst v4;
	v2 =	vmul.f32 $8.000000000e+00, v2  }
0x170: {  	[tilespmem:s17+$0xFFFFFF10] =	vst v5;
	v3 =	vmul.f32 $8.000000000e+00, v3;
	v4 =	vld [tilespmem:s10+$0xA0]  }
0x171: {  	v5 =	vld [tilespmem:s10+$0xFFFFFF20];
	v6 =	vmul.f32 $8.000000000e+00, v6;
	[tilespmem:s17+$0xE0] =	vst v2  }
0x172: {  	[tilespmem:s17+$0xFFFFFF60] =	vst v3;
	v1 =	vmul.f32 $8.000000000e+00, v1;
	v3 =	vld [tilespmem:s10+$0xF0]  }
0x173: {  	v8 =	vld [tilespmem:s10+$0xFFFFFF70];
	[tilespmem:s17+$0xFFFFFFA0] =	vst v6;
	v2 =	vmul.f32 $8.000000000e+00, v7  }
0x174: {  	v7 =	vld [tilespmem:s10+$0xFFFFFFB0];
	[tilespmem:s17+$0xFFFFFFE0] =	vst v1;
	v1 =	vmul.f32 $8.000000000e+00, v0  }
.Ltmp14:
0x175: {  	v0 =	vld [tilespmem:s10+$0xFFFFFFF0];
	[tilespmem:s17+$0x20] =	vst v2;
	v4 =	vmul.f32 $8.000000000e+00, v4;
	(pc) =	sbr.rel @p0 .LBB2_21-.Ltmp14, $4  }
0x176: {  	v5 =	vmul.f32 $8.000000000e+00, v5;
	v2 =	vld [tilespmem:s10+$0x30];
	[tilespmem:s17+$0x60] =	vst v1  }
0x177: {  	v1 =	vld [tilespmem:s10+$0x70];
	[tilespmem:s17+$0xA0] =	vst v4;
	v9 =	vmul.f32 $8.000000000e+00, v3  }
0x178: {  	[tilespmem:s17+$0xFFFFFF20] =	vst v5;
	v6 =	vmul.f32 $8.000000000e+00, v8;
	v3 =	vld [tilespmem:s10+$0xB0]  }
0x179: {  	v4 =	vld [tilespmem:s10+$0xFFFFFF30];
	v5 =	vmul.f32 $8.000000000e+00, v7;
	[tilespmem:s17+$0xF0] =	vst v9;
	s10 =	sadd.s32 $0x200, s10  }
0x17a: {  	[tilespmem:s17+$0xFFFFFF70] =	vst v6;
	v0 =	vmul.f32 $8.000000000e+00, v0  }
0x17b: {  	[tilespmem:s17+$0xFFFFFFB0] =	vst v5;
	v2 =	vmul.f32 $8.000000000e+00, v2  }
0x17c: {  	p0 =	seq.s32 s0, $0x31;
	[tilespmem:s17+$0xFFFFFFF0] =	vst v0;
	v61 =	vmul.f32 $8.000000000e+00, v1  }
.Ltmp15:
0x17d: {  	s6 =	sadd.s32 s15, s9;
	[tilespmem:s17+$0x30] =	vst v2;
	v62 =	vmul.f32 $8.000000000e+00, v3;
	(pc) =	sbr.rel @p0 .LBB2_24-.Ltmp15, $4  }
0x17e: {  	s6 =	sshll.u32 s6, $0xA;
	v63 =	vmul.f32 $8.000000000e+00, v4;
	[tilespmem:s17+$0x70] =	vst v61  }
0x17f: {  	s6 =	sand.u32 $0x1FFFFC00, s6;
	[tilespmem:s17+$0xB0] =	vst v62  }
0x180: {  	s6 =	sadd.s32 s2, s6;
	[tilespmem:s17+$0xFFFFFF30] =	vst v63  }
0x181: {  	[hbm4b:s6+s3] =	stream.linear.scatter [tilespmem:s30], [sflag:$0x8], $0x2000, $0x38;
	[tilespmem:$0x16400] =	vst v63  }
.Ltmp16:
0x182: {  	(pc) =	sbr.rel .LBB2_2-.Ltmp16, $4  }
0x183: {  	s6 =	sshll.u32 s0, $0x9  }
0x184: {  	s6 =	sand.u32 $0x3FFFFE00, s6  }
0x185: {  	s0 =	sadd.s32 $0x1, s0;
	s6 =	sadd.s32 $0x380, s6  }
0x186: {  	[tilespmem:s18], [sflag:$0x4] =	stream.indirect.gather [hbm4b:s5+s12], $0x40, s6, s12, $0xb8;
	[tilespmem:$0x16400] =	vst v63  }
.LBB2_25:
0x187: {  	_ =	sfence.sel $0x180000  }
0x188: {  	[bflag:$0x0] =	sbarrier.arrive $0xFFFF  }
0x189: {  	_ =	strace $0x90000047  }
0x18a: {  	s0 =	stileid.u32;
	[bflag:$0x2] =	sbarrier.arrive $0xFFFF  }
0x18b: {  	p0 =	sne.s32 s0, $0x0;
	s0 =	rddreg [dreg:$0x2]  }
0x18c: {  	s0 =	sadd.s32 @!p0 $0x100000, s0  }
0x18d: {  	[sflag:s0] =	ssyncadd.tile.s32 @!p0 $0x1;
	_ =	shalt  }
.Lfunc_end2:
_tile_overlayer_lowered:
.L_overlay_start_2:
0x18e: {  	(tag) =	ssettag $0x2  }
0x18f: {  	s0 =	rddreg [dreg:$0x0];
	s2 =	stileid.u32  }
0x190: {  	s1 =	rddreg [dreg:$0x1];
	p0 =	sne.s32 s2, $0x0  }
0x191: {  	s3 =	rddreg [dreg:$0x2];
	[bflag:$0x3] =	sbarrier.arrive $0xFFFF;
	s2 =	simm.s32 @!p0 $0x1C09  }
0x192: {  	[timem:s3], [sflag:s2] =	dma.local @!p0 [hbm:s0], s1  }
0x193: {  	s0 =	simm.s32 @!p0 $0x9  }
0x194: {  	_ =	swait.ge @!p0 [sflag:s0], s1  }
0x195: {  	s1 =	ssub.s32 @!p0 $0x0, s1;
	[sflag:s0] =	ssyncset.done @!p0 $0x0  }
0x196: {  	[sflag:s0] =	ssyncadd.s32 @!p0 s1  }
0x197: {  	[bflag:$0x3] =	sbarrier.arrive $0xFFFF  }
0x198: {  	_ =	shalt  }

// kernel: sparse-core-data-format-call.cloned.1.call-start
scs
called_computation_lowered:
.L_overlay_start_0:
0x0: {  	s2 =	sld [smem:$0x3FD9]  }
0x1: {  	s3 =	sld [smem:$0x3FFE];
	_ =	sdelay $0x1  }
0x2: {  	s1 =	srdreg.scid  }
0x3: {  	s0 =	sand.u32 $0x1, s1  }
0x4: {  	s18 =	sshll.u32 s0, $0xA;
	s2 =	sadd.s32 s3, s2  }
0x5: {  	s2 =	sadd.s32 s2, s18  }
0x6: {  	[smem:$0x3FC6] =	sst s2  }
0x7: {  	_ = 	snop  }
0x8: {  	s2 =	sld [smem:$0x3FD0];
	(tm) =	ssettm $0x1  }
0x9: {  	s19 =	sld [smem:$0x3FFB];
	_ =	sdelay $0x3  }
0xa: {  	_ =	strace s19  }
0xb: {  	s3 =	sld [smem:$0x3FFC];
	_ =	sdelay $0x3  }
0xc: {  	_ =	strace s3  }
0xd: {  	s3 =	sld [smem:$0x3FFD];
	_ =	sdelay $0x3  }
0xe: {  	_ =	strace s3  }
0xf: {  	_ =	strace $0x8FFFFFFF  }
0x10: {  	s20 =	sld [smem:$0x3FDB];
	_ =	sdelay $0x1  }
0x11: {  	s4 =	simm.s32 $_scs_section_size  }
0x12: {  	s5 =	simm.s32 $_size__tile_overlayer_lowered;
	s6 =	simm.s32 $_tile_overlayer_lowered  }
0x13: {  	s23 =	simm.s32 $0x1BFF;
	s22 =	sshll.u32 s6, $0x1;
	s3 =	sadd.s32 s4, s20  }
0x14: {  	s7 =	simm.s32 $0x0;
	s21 =	sshll.u32 s5, $0x1;
	s5 =	sadd.s32 s22, s3  }
0x15: {  	[timem:s7], [sflag:s23] =	dma.local [hbm:s5], s21  }
0x16: {  	_ =	swait.ge [sflag:s23], s21  }
0x17: {  	s4 =	ssub.s32 $0x0, s21;
	[sflag:s23] =	ssyncset.done $0x0  }
0x18: {  	[sflag:s23] =	ssyncadd.s32 s4;
	_ =	sdelay $0x1  }
0x19: {  	s24 =	simm.s32 $0x1B8B  }
0x1a: {  	_ =	swait.ge [sflag:s24], $0x1  }
0x1b: {  	[sflag:s24] =	ssyncset.done $0x0  }
0x1c: {  	s26 =	simm.s32 $0x1B8E;
	s25 =	sld [smem:$0x3FFE];
	[sflag:s24] =	ssyncadd.s32 $0xFFFFFFFF  }
0x1d: {  	s27 =	simm.s32 $execute0_lowered;
	[smem:$0x3FD2] =	sst s26  }
0x1e: {  	s5 =	sshll.u32 s27, $0x1;
	_ =	strace $0x80000049;
	[dreg:$0x1] =	wrdreg $0xFFFFFFFF  }
0x1f: {  	s28 =	simm.s32 $_size_execute0_lowered;
	s3 =	sadd.s32 s3, s5;
	[dreg:$0x0] =	wrdreg $0x0  }
0x20: {  	s5 =	sshll.u32 s28, $0x1;
	[dreg:$0x2] =	wrdreg s3  }
0x21: {  	[dreg:$0x3] =	wrdreg s5  }
0x22: {  	[dreg:$0x4] =	wrdreg $0xC0  }
0x23: {  	_ =	task [dreg:s7], $0x5FFFF  }
0x24: {  	[dreg:$0x1] =	wrdreg $0xFFFFFFFF  }
0x25: {  	[dreg:$0x0] =	wrdreg $0x60  }
0x26: {  	[dreg:$0x2] =	wrdreg s25  }
0x27: {  	[dreg:$0x3] =	wrdreg s2  }
0x28: {  	[dreg:$0x4] =	wrdreg $0x9  }
0x29: {  	_ =	task.clear_ibuf [dreg:s7], $0x5FFFF;
	_ =	strace $0x90000049  }
0x2a: {  	s29 =	simm.s32 $0x9;
	_ =	strace $0x8000004B  }
0x2b: {  	_ =	swait.ge [sflag:s29], $0x1  }
0x2c: {  	[sflag:s29] =	ssyncadd.s32 $0xFFFFFFFF  }
0x2d: {  	_ =	strace $0x9000004B  }
0x2e: {  	_ =	sfence  }
0x2f: {  	s30 =	sld [smem:$0x0];
	_ =	sdelay $0x2  }
0x30: {  	s31 =	sshll.u32 s1, $0xD;
	s1 =	sshrl.u32 s1, $0x2  }
0x31: {  	s3 =	sand.u32 $0x4000, s31;
	s1 =	sadd.s32 s1, s30  }
0x32: {  	s0 =	sor.u32 s3, s0;
	s1 =	sshll.u32 s1, $0x11  }
0x33: {  	s0 =	sor.u32 s1, s0  }
0x34: {  	s0 =	sadd.s32 $0x8F2B, s0  }
0x35: {  	[sflag:s0] =	ssyncadd.remote.s32 $0x1  }
0x36: {  	_ =	sfence.sel $0xFFFF  }
0x37: {  	[dreg:$0x0] =	wrdreg $0xFFFFFFFF;
	(pc) =	sbr.abs _section_cstart, $3  }
0x38: {  	[dreg:$0x1] =	wrdreg $0xFFFFFFFF  }
0x39: {  	_ =	task.clear_ibuf [dreg:s7], $0x2FFFF;
	_ =	strace $0x9FFFFFFF  }
0x3a: {  	(tm) =	ssettm $0x7FFFFFFF  }
0x3b: {  	_ =	shalt  }
tec
execute0_lowered:
.L_overlay_start_1:
0x0: {  	(tag) =	ssettag $0x1  }
0x1: {  	s0 =	srdreg.scid  }
0x2: {  	s1 =	sshll.u32 s0, $0x4  }
0x3: {  	s0 =	stileid.u32;
	s1 =	sand.u32 $0x10, s1  }
0x4: {  	s1 =	sor.u32 s0, s1  }
0x5: {  	s6 =	rddreg [dreg:$0x0];
	s4 =	simm.s32 $0x1;
	s2 =	sshll.u32 s1, $0x7  }
0x6: {  	s7 =	simm.s32 $0x2;
	s12 =	simm.s32 $0x0;
	s1 =	ssub.s32 $0x1000, s2  }
0x7: {  	s8 =	simm.s32 $0x8000;
	s13 =	simm.s32 $0x0;
	s3 =	sand.u32 $0xF80, s1  }
0x8: {  	s9 =	simm.s32 $0x0;
	s5 =	sshrl.u32 s1, $0xC;
	p0 =	sne.s32 s3, $0x0  }
.Ltmp0:
0x9: {  	s1 =	rddreg [dreg:$0x2];
	s4 =	simm.s32 @!p0 $0x0;
	(pc) =	sbr.rel .LBB1_1-.Ltmp0, $4  }
0xa: {  	s11 =	simm.s32 $0x0;
	s3 =	rddreg [dreg:$0x1];
	s5 =	sadd.s32 s4, s5  }
0xb: {  	_ =	strace $0x8000004A;
	s4 =	simm.s32 $0x1;
	s5 =	smul.u32 $0xC8, s5  }
0xc: {  	s6 =	sadd.s32 $0xA00, s6;
	s10 =	smov.u32 s2;
	[sflag:s4] =	ssyncpa.u1 $0x0  }
0xd: {  	p0 =	por $0x0, $0x0;
	[sflag:s7] =	ssyncpa.u1 $0x0;
	s7 =	sor.u32 $0x1, s5  }
.LBB1_4:
0xe: {  	s16 =	sshll.u32 s13, $0x3;
	s17 =	sand.u32 $0x78, s13  }
0xf: {  	s30 =	sand.u32 $0x7E00, s13;
	s12 =	sshll.u32 s12, $0xF;
	s16 =	sand.u32 $0xC00, s16  }
0x10: {  	[tilespmem:s15+$0x810 ss:$0x81] =	vst.msk $0xffff, v2;
	s31 =	sand.u32 $0x7, s13;
	s16 =	sor.u32 s17, s16;
	s17 =	sadd.s32 s3, s30  }
0x11: {  	[tilespmem:s15+$0x1020 ss:$0x81] =	vst.msk $0xffff, v0;
	s13 =	sshll.u32 s31, $0x12;
	s12 =	sadd.s32 s12, s17;
	s16 =	sshrl.u32 s16, $0x3  }
0x12: {  	[tilespmem:s15+$0x0 ss:$0x81] =	vst.msk $0xffff, v1;
	s13 =	sor.u32 $0x400, s13;
	s12 =	sadd.s32 s16, s12  }
0x13: {  	[hbm4b:s12+s13] =	stream.strided.scatter [tilespmem:s14], [sflag:$0x2], $0x2000, s8, s13, $0x20;
	[tilespmem:$0x8080] =	vst v63  }
.LBB1_5:
0x14: {  	s14 =	sadd.s32 $0x1, s9  }
0x15: {  	s12 =	sadd.s32 $0x1000, s10;
	s16 =	smov.u32 s10;
	p2 =	sgt.s32 s14, $0xC7  }
0x16: {  	s16 =	smov.u32 @p2 s12  }
0x17: {  	s14 =	simm.s32 @p2 $0x0;
	p2 =	sgt.s32 s16, $0xFFF  }
0x18: {  	s16 =	smov.u32 @p2 s2;
	p2 =	sne.s32 s11, s7  }
.Ltmp1:
0x19: {  	p1 =	slt.u32 s11, $0x2;
	(pc) =	sbr.rel @!p2 .LBB1_6-.Ltmp1, $4  }
0x1a: {  	s15 =	simm.s32 @!p1 $0x2  }
0x1b: {  	s13 =	smov.u32 s10;
	p0 =	por !p0, !p0;
	_ =	swait.ge @!p1 [sflag:s15], $0x2000  }
0x1c: {  	s12 =	smov.u32 s9;
	[sflag:s15] =	ssyncset.done @!p1 $0x0;
	s9 =	smov.u32 s14  }
0x1d: {  	s11 =	sadd.s32 $0x1, s11;
	[sflag:s15] =	ssyncadd.s32 @!p1 $0xFFFFE000;
	s10 =	smov.u32 s16  }
.LBB1_1:
0x1e: {  	p1 =	sge.u32 s11, s5  }
0x1f: {  	s14 =	sand.u32 @!p1 $0x1FFFFFF, s9  }
0x20: {  	s15 =	smulhi.u32 @!p1 $0x147AE15, s14;
	_ =	sdelay $0x1  }
0x21: {  	s15 =	smul.u32 @!p1 $0xC8, s15  }
0x22: {  	s16 =	sxor.u32 @!p1 $0xFFFFFFFF, s11;
	s17 =	smul.u32 @!p1 $0xC80, s10  }
0x23: {  	s31 =	sadd.s32 $0xFFFFFFFF, s11;
	s16 =	sshll.u32 @!p1 s16, $0xD;
	s14 =	ssub.s32 @!p1 s14, s15  }
0x24: {  	s15 =	sand.u32 @!p1 $0x2000, s16;
	s16 =	sadd.s32 @!p1 s6, s17;
	s14 =	sshll.u32 @!p1 s14, $0x4  }
0x25: {  	s17 =	simm.s32 @!p1 $0x6400;
	s14 =	sadd.s32 @!p1 s14, s16;
	s16 =	simm.s32 @!p1 $0x40  }
0x26: {  	[tilespmem:s15], [sflag:$0x1] =	stream.strided.gather @!p1 [hbm4b:s14+s16], $0x2000, s17, s16, $0x38;
	[tilespmem:$0x8080] =	vst v63  }
0x27: {  	p1 =	sge.u32 s31, s5  }
.Ltmp2:
0x28: {  	_ = 	snop;
	(pc) =	sbr.rel @p1 .LBB1_5-.Ltmp2, $1  }
0x29: {  	_ =	sdelay $0x3  }
0x2a: {  	s14 =	simm.s32 $0x1  }
0x2b: {  	_ =	swait.ge [sflag:s4], $0x2000;
	s14 =	simm.s32 @!p0 $0x0  }
0x2c: {  	[sflag:s4] =	ssyncset.done $0x0;
	s15 =	sshll.u32 s14, $0xD  }
0x2d: {  	[sflag:s4] =	ssyncadd.s32 $0xFFFFE000;
	s18 =	sor.u32 $0x20, s15  }
0x2e: {  	s14 =	smul.u32 $0x8100, s14;
	v3 =	vld [tilespmem:s18+$0x10]  }
0x2f: {  	s30 =	sand.u32 $0x1, s11;
	v2 =	vld [tilespmem:s18+$0xFFFFFFF0]  }
0x30: {  	s15 =	smul.u32 $0x8100, s30;
	s14 =	sshrl.u32 s14, $0x2;
	v0 =	vld [tilespmem:s18+$0x0]  }
0x31: {  	v1 =	vld [tilespmem:s18+$0xFFFFFFE0];
	s16 =	sor.u32 $0x4000, s14  }
0x32: {  	s31 =	sshrl.u32 s15, $0x2;
	s15 =	sadd.s32 $0x0, s16  }
0x33: {  	s17 =	simm.s32 $0x4;
	s18 =	sadd.s32 $0x40, s18;
	s14 =	sor.u32 $0x4000, s31;
	[tilespmem:s15+$0x1830 ss:$0x81] =	vst.msk $0xffff, v3  }
.LBB1_3:
0x34: {  	v3 =	vld [tilespmem:s18+$0x10];
	p1 =	sne.s32 s17, $0x1FC;
	[tilespmem:s15+$0x810 ss:$0x81] =	vst.msk $0xffff, v2;
	s19 =	smov.u32 s17;
	s17 =	sadd.s32 $0x4, s17  }
.Ltmp3:
0x35: {  	v2 =	vld [tilespmem:s18+$0xFFFFFFF0];
	[tilespmem:s15+$0x1020 ss:$0x81] =	vst.msk $0xffff, v0;
	(pc) =	sbr.rel @p1 .LBB1_3-.Ltmp3, $4  }
0x36: {  	v0 =	vld [tilespmem:s18+$0x0];
	[tilespmem:s15+$0x0 ss:$0x81] =	vst.msk $0xffff, v1  }
0x37: {  	s15 =	sshra.s32 s19, $0x2;
	v1 =	vld [tilespmem:s18+$0xFFFFFFE0]  }
0x38: {  	s15 =	sadd.s32 s15, s16  }
0x39: {  	s18 =	sadd.s32 $0x40, s18;
	[tilespmem:s15+$0x1830 ss:$0x81] =	vst.msk $0xffff, v3  }
.Ltmp4:
0x3a: {  	_ = 	snop;
	(pc) =	sbr.rel .LBB1_4-.Ltmp4, $1  }
0x3b: {  	_ =	sdelay $0x3  }
.LBB1_6:
0x3c: {  	_ =	sfence.sel $0x180000  }
0x3d: {  	s2 =	simm.s32 $0x1;
	[bflag:$0x0] =	sbarrier.arrive $0xFFFF  }
0x3e: {  	s31 =	simm.s32 $0x2;
	[sflag:s2] =	ssyncpa.u1 $0x1  }
0x3f: {  	[sflag:s31] =	ssyncpa.u1 $0x1  }
0x40: {  	p0 =	sne.s32 s0, $0x0;
	_ =	strace $0x9000004A  }
0x41: {  	s0 =	sadd.s32 @!p0 $0x100000, s1;
	[bflag:$0x2] =	sbarrier.arrive $0xFFFF  }
0x42: {  	[sflag:s0] =	ssyncadd.tile.s32 @!p0 $0x1;
	_ =	shalt  }
.Lfunc_end1:
_tile_overlayer_lowered:
.L_overlay_start_2:
0x43: {  	(tag) =	ssettag $0x2  }
0x44: {  	s0 =	rddreg [dreg:$0x0];
	s2 =	stileid.u32  }
0x45: {  	s1 =	rddreg [dreg:$0x1];
	p0 =	sne.s32 s2, $0x0  }
0x46: {  	s3 =	rddreg [dreg:$0x2];
	[bflag:$0x3] =	sbarrier.arrive $0xFFFF;
	s2 =	simm.s32 @!p0 $0x1C01  }
0x47: {  	[timem:s3], [sflag:s2] =	dma.local @!p0 [hbm:s0], s1  }
0x48: {  	s0 =	simm.s32 @!p0 $0x1  }
0x49: {  	_ =	swait.ge @!p0 [sflag:s0], s1  }
0x4a: {  	s1 =	ssub.s32 @!p0 $0x0, s1;
	[sflag:s0] =	ssyncset.done @!p0 $0x0  }
0x4b: {  	[sflag:s0] =	ssyncadd.s32 @!p0 s1  }
0x4c: {  	[bflag:$0x3] =	sbarrier.arrive $0xFFFF  }
0x4d: {  	_ =	shalt  }

</sc_bundles>
